<compile_context>
chip_gen: v7x
topology: tpu7x:2x2x1
jax: 0.10.2.dev20260603
libtpu: 0.0.44.dev20260713+nightly
codegen_flags: <defaults>
</compile_context>

<pallas_src>
import functools

import jax
import jax.numpy as jnp
from jax import lax
from jax.experimental import pallas as pl
from jax.experimental.pallas import tpu as pltpu
from jax.experimental.pallas import tpu_sc as plsc

EPS = 1e-12

NC = 2
NS = 16
NW = NC * NS

CH = 64
HP = 384
LANES = 16


def _ln_table_body(tbl_ref, g_ref, b_ref, out_ref):
    x = tbl_ref[...]
    u = jnp.mean(x, axis=-1, keepdims=True)
    s = jnp.mean((x - u) ** 2, axis=-1, keepdims=True)
    y = g_ref[...] * ((x - u) / jnp.sqrt(s + EPS)) + b_ref[...]
    out_ref[...] = jnp.pad(y, ((0, 0), (0, HP - y.shape[1])))


def _normalize_table(word_embeddings, gamma, beta):
    V, H = word_embeddings.shape
    BR = 2000
    grid = V // BR
    g2 = gamma.reshape(1, H)
    b2 = beta.reshape(1, H)
    return pl.pallas_call(
        _ln_table_body,
        grid=(grid,),
        in_specs=[
            pl.BlockSpec((BR, H), lambda i: (i, 0)),
            pl.BlockSpec((1, H), lambda i: (0, 0)),
            pl.BlockSpec((1, H), lambda i: (0, 0)),
        ],
        out_specs=pl.BlockSpec((BR, HP), lambda i: (i, 0)),
        out_shape=jax.ShapeDtypeStruct((V, HP), jnp.float32),
    )(word_embeddings, g2, b2)


def _make_sc_gather(ntok, H, n_chunks):
    mesh = plsc.VectorSubcoreMesh(core_axis_name="c", subcore_axis_name="s")
    per_w = n_chunks * CH
    nfull = H // LANES
    tail = H - LANES

    @functools.partial(
        pl.kernel,
        mesh=mesh,
        out_type=jax.ShapeDtypeStruct((ntok, H), jnp.float32),
        scratch_types=[
            pltpu.VMEM((n_chunks, CH), jnp.int32),
            pltpu.VMEM((2, CH, HP), jnp.float32),
            pltpu.VMEM((2, CH, H), jnp.float32),
            pltpu.SemaphoreType.DMA((2,)),
            pltpu.SemaphoreType.DMA((2,)),
        ],
    )
    def gather_kernel(tbl_hbm, idx_hbm, out_hbm, idx_v, r384, r300, gsem, ssem):
        wid = lax.axis_index("c") * NS + lax.axis_index("s")
        base = wid * per_w
        pltpu.sync_copy(idx_hbm.at[wid], idx_v)

        def gather_chunk(c, b):
            return pltpu.make_async_copy(
                tbl_hbm.at[idx_v.at[c]], r384.at[b], gsem.at[b])

        def store_chunk(c, b):
            row0 = pl.multiple_of(base + c * CH, 8)
            return pltpu.make_async_copy(
                r300.at[b], out_hbm.at[pl.ds(row0, CH)], ssem.at[b])

        gather_chunk(0, 0).start()
        gather_chunk(1, 1).start()

        def step(c0):
            for b in range(2):
                c = c0 + b
                gather_chunk(c, b).wait()

                @pl.when(c >= 2)
                def _():
                    store_chunk(c, b).wait()

                def repack(j):
                    vals = [r384[b, j, pl.ds(LANES * k, LANES)]
                            for k in range(nfull)]
                    vals.append(r384[b, j, pl.ds(tail, LANES)])
                    for k in range(nfull):
                        r300[b, j, pl.ds(LANES * k, LANES)] = vals[k]
                    r300[b, j, pl.ds(tail, LANES)] = vals[nfull]

                pl.loop(0, CH, unroll=2)(repack)

                @pl.when(c + 2 < n_chunks)
                def _():
                    gather_chunk(c + 2, b).start()

                store_chunk(c, b).start()

        pl.loop(0, n_chunks, step=2)(step)
        store_chunk(n_chunks - 2, 0).wait()
        store_chunk(n_chunks - 1, 1).wait()

    return gather_kernel


def kernel(input_ids, word_embeddings, gamma, beta):
    B, L = input_ids.shape
    V, H = word_embeddings.shape
    ntok = B * L
    n_chunks = ntok // (NW * CH)

    norm_table = _normalize_table(word_embeddings, gamma, beta)
    idx = input_ids.reshape(NW, n_chunks, CH).astype(jnp.int32)
    out_flat = _make_sc_gather(ntok, H, n_chunks)(norm_table, idx)
    return out_flat.reshape(B, L, H)

# --- scband reference (transcript-rebuilt; emitter-appended) ---
"""Pipeline reference for scband-kannada-embeddings-9088150798372 (READ-ONLY COPY).

The authoritative reference and input builder live on the scoring server;
editing this copy changes nothing except your own understanding.
"""

import jax, jax.numpy as jnp
import numpy as np

VOCAB = 20000
HIDDEN = 300
B = 1024
L = 200
EPS = 1e-12


def setup_inputs(seed: int = 0) -> dict:
    key = jax.random.key(seed)
    k1, k2 = jax.random.split(key, 2)
    input_ids = jax.random.randint(k1, (B, L), 0, VOCAB, dtype=jnp.int64 if jax.config.jax_enable_x64 else jnp.int32)
    word_embeddings = jax.random.normal(k2, (VOCAB, HIDDEN), dtype=jnp.float32) * 0.02
    gamma = jnp.ones((HIDDEN,), dtype=jnp.float32)
    beta = jnp.zeros((HIDDEN,), dtype=jnp.float32)
    return {"input_ids": input_ids, "word_embeddings": word_embeddings, "gamma": gamma, "beta": beta}


def reference(input_ids, word_embeddings, gamma, beta):
    # word embedding lookup (gather)
    words_embeddings = jnp.take(word_embeddings, input_ids, axis=0)  # [B, L, H]
    # KannadaLayerNorm
    u = jnp.mean(words_embeddings, axis=-1, keepdims=True)
    s = jnp.mean((words_embeddings - u) ** 2, axis=-1, keepdims=True)
    x = (words_embeddings - u) / jnp.sqrt(s + EPS)
    out = gamma * x + beta
    # dropout is identity in eval mode
    return out

if __name__ == "__main__":
    import jax
    _d = setup_inputs()
    print(jax.jit(kernel)(*tuple(_d.values())))

</pallas_src>

<mosaic_0001>
#map = affine_map<(d0, d1) -> (0, 0)>
#map1 = affine_map<(d0, d1) -> (0, 0, 0)>
module attributes {stable_mosaic.version = 14 : i64} {
  func.func @gather_kernel(%arg0: i32, %arg1: i32, %arg2: memref<20000x384xf32, #tpu.memory_space<hbm>>, %arg3: memref<32x100x64xi32, #tpu.memory_space<hbm>>, %arg4: memref<204800x300xf32, #tpu.memory_space<hbm>>, %arg5: memref<100x64xi32, #tpu.memory_space<vmem>>, %arg6: memref<2x64x384xf32, #tpu.memory_space<vmem>>, %arg7: memref<2x64x300xf32, #tpu.memory_space<vmem>>, %arg8: memref<2x!tpu.dma_semaphore, #tpu.memory_space<semaphore_mem>>, %arg9: memref<2x!tpu.dma_semaphore, #tpu.memory_space<semaphore_mem>>) attributes {dimension_semantics = [#tpu.dimension_semantics<core_parallel>, #tpu.dimension_semantics<subcore_parallel>], iteration_bounds = array<i64: 2, 16>, scalar_prefetch = 0 : i64, scratch_operands = 5 : i64, tpu.core_type = #tpu.core_type<sc_vector_subcore>, window_params = [{transform_indices = #map}, {transform_indices = #map1}, {transform_indices = #map}]} {
    %mul3A = arith.constant 16 : i32
    %mul3A_0 = arith.muli %arg0, %mul3A : i32
    %add3A = arith.addi %mul3A_0, %arg1 : i32
    %mul3A_1 = arith.constant 6400 : i32
    %mul3A_2 = arith.muli %add3A, %mul3A_1 : i32
    "tpu.region"() ({
      %run_scoped3A = tpu.sem_alloc : memref<!tpu.dma_semaphore, #tpu.memory_space<semaphore_mem>>
      %dma_start3A_72 = arith.constant 0 : i32
      %dma_start3A_73 = arith.constant 0 : i32
      %dma_start3A_74 = tpu.memref_slice %arg3[%add3A, %dma_start3A_72, %dma_start3A_73] : memref<32x100x64xi32, #tpu.memory_space<hbm>> -> memref<1x100x64xi32, #tpu.memory_space<hbm>>
      %dma_start3A_75 = tpu.memref_squeeze %dma_start3A_74 : memref<1x100x64xi32, #tpu.memory_space<hbm>> -> memref<100x64xi32, #tpu.memory_space<hbm>>
      %dma_start3A_76 = arith.constant 0 : i32
      %dma_start3A_77 = arith.constant 0 : i32
      %dma_start3A_78 = tpu.memref_slice %arg3[%add3A, %dma_start3A_76, %dma_start3A_77] : memref<32x100x64xi32, #tpu.memory_space<hbm>> -> memref<1x100x64xi32, #tpu.memory_space<hbm>>
      %dma_start3A_79 = tpu.memref_squeeze %dma_start3A_78 : memref<1x100x64xi32, #tpu.memory_space<hbm>> -> memref<100x64xi32, #tpu.memory_space<hbm>>
      tpu.enqueue_dma source(%dma_start3A_79 : memref<100x64xi32, #tpu.memory_space<hbm>>) target(%arg5 : memref<100x64xi32, #tpu.memory_space<vmem>>) target_semaphore(%run_scoped3A : memref<!tpu.dma_semaphore, #tpu.memory_space<semaphore_mem>>)
      %dma_wait3A_80 = arith.constant 0 : i32
      %dma_wait3A_81 = arith.constant 0 : i32
      %dma_wait3A_82 = tpu.memref_slice %arg3[%add3A, %dma_wait3A_80, %dma_wait3A_81] : memref<32x100x64xi32, #tpu.memory_space<hbm>> -> memref<1x100x64xi32, #tpu.memory_space<hbm>>
      %dma_wait3A_83 = tpu.memref_squeeze %dma_wait3A_82 : memref<1x100x64xi32, #tpu.memory_space<hbm>> -> memref<100x64xi32, #tpu.memory_space<hbm>>
      %dma_wait3A_84 = arith.constant 0 : i32
      %dma_wait3A_85 = arith.constant 0 : i32
      %dma_wait3A_86 = tpu.memref_slice %arg3[%add3A, %dma_wait3A_84, %dma_wait3A_85] : memref<32x100x64xi32, #tpu.memory_space<hbm>> -> memref<1x100x64xi32, #tpu.memory_space<hbm>>
      %dma_wait3A_87 = tpu.memref_squeeze %dma_wait3A_86 : memref<1x100x64xi32, #tpu.memory_space<hbm>> -> memref<100x64xi32, #tpu.memory_space<hbm>>
      tpu.wait_dma2 semaphore(%run_scoped3A : memref<!tpu.dma_semaphore, #tpu.memory_space<semaphore_mem>>) src(%dma_wait3A_87 : memref<100x64xi32, #tpu.memory_space<hbm>>) dst(%arg5 : memref<100x64xi32, #tpu.memory_space<vmem>>)
      tpu.yield
    }) : () -> ()
    %dma_start3A = arith.constant 0 : i32
    %dma_start3A_3 = arith.constant 0 : i32
    %dma_start3A_4 = arith.constant 0 : i32
    %dma_start3A_5 = arith.constant 0 : i32
    %dma_start3A_6 = arith.constant 0 : i32
    %dma_start3A_7 = tpu.memref_slice %arg6[%dma_start3A_3, %dma_start3A_5, %dma_start3A_6] : memref<2x64x384xf32, #tpu.memory_space<vmem>> -> memref<1x64x384xf32, #tpu.memory_space<vmem>>
    %dma_start3A_8 = tpu.memref_squeeze %dma_start3A_7 : memref<1x64x384xf32, #tpu.memory_space<vmem>> -> memref<64x384xf32, #tpu.memory_space<vmem>>
    %dma_start3A_9 = arith.constant 0 : i32
    %dma_start3A_10 = tpu.memref_slice %arg5[%dma_start3A, %dma_start3A_9] : memref<100x64xi32, #tpu.memory_space<vmem>> -> memref<1x64xi32, #tpu.memory_space<vmem>>
    %dma_start3A_11 = tpu.memref_squeeze %dma_start3A_10 : memref<1x64xi32, #tpu.memory_space<vmem>> -> memref<64xi32, #tpu.memory_space<vmem>>
    %dma_start3A_12 = arith.constant 0 : i32
    %dma_start3A_13 = arith.constant 0 : i32
    %dma_start3A_14 = tpu.memref_slice %arg2[%dma_start3A_12, %dma_start3A_13] : memref<20000x384xf32, #tpu.memory_space<hbm>> -> memref<20000x384xf32, #tpu.memory_space<hbm>>
    %dma_start3A_15 = tpu.memref_slice %arg8[%dma_start3A_4] : memref<2x!tpu.dma_semaphore, #tpu.memory_space<semaphore_mem>> -> memref<1x!tpu.dma_semaphore, #tpu.memory_space<semaphore_mem>>
    %dma_start3A_16 = tpu.memref_squeeze %dma_start3A_15 : memref<1x!tpu.dma_semaphore, #tpu.memory_space<semaphore_mem>> -> memref<!tpu.dma_semaphore, #tpu.memory_space<semaphore_mem>>
    tpu.enqueue_indirect_dma source(%dma_start3A_14 : memref<20000x384xf32, #tpu.memory_space<hbm>>) target(%dma_start3A_8 : memref<64x384xf32, #tpu.memory_space<vmem>>) offsets(%dma_start3A_11 : memref<64xi32, #tpu.memory_space<vmem>>) semaphore(%dma_start3A_16 : memref<!tpu.dma_semaphore, #tpu.memory_space<semaphore_mem>>)
    %dma_start3A_17 = arith.constant 1 : i32
    %dma_start3A_18 = arith.constant 1 : i32
    %dma_start3A_19 = arith.constant 1 : i32
    %dma_start3A_20 = arith.constant 0 : i32
    %dma_start3A_21 = arith.constant 0 : i32
    %dma_start3A_22 = tpu.memref_slice %arg6[%dma_start3A_18, %dma_start3A_20, %dma_start3A_21] : memref<2x64x384xf32, #tpu.memory_space<vmem>> -> memref<1x64x384xf32, #tpu.memory_space<vmem>>
    %dma_start3A_23 = tpu.memref_squeeze %dma_start3A_22 : memref<1x64x384xf32, #tpu.memory_space<vmem>> -> memref<64x384xf32, #tpu.memory_space<vmem>>
    %dma_start3A_24 = arith.constant 0 : i32
    %dma_start3A_25 = tpu.memref_slice %arg5[%dma_start3A_17, %dma_start3A_24] : memref<100x64xi32, #tpu.memory_space<vmem>> -> memref<1x64xi32, #tpu.memory_space<vmem>>
    %dma_start3A_26 = tpu.memref_squeeze %dma_start3A_25 : memref<1x64xi32, #tpu.memory_space<vmem>> -> memref<64xi32, #tpu.memory_space<vmem>>
    %dma_start3A_27 = arith.constant 0 : i32
    %dma_start3A_28 = arith.constant 0 : i32
    %dma_start3A_29 = tpu.memref_slice %arg2[%dma_start3A_27, %dma_start3A_28] : memref<20000x384xf32, #tpu.memory_space<hbm>> -> memref<20000x384xf32, #tpu.memory_space<hbm>>
    %dma_start3A_30 = tpu.memref_slice %arg8[%dma_start3A_19] : memref<2x!tpu.dma_semaphore, #tpu.memory_space<semaphore_mem>> -> memref<1x!tpu.dma_semaphore, #tpu.memory_space<semaphore_mem>>
    %dma_start3A_31 = tpu.memref_squeeze %dma_start3A_30 : memref<1x!tpu.dma_semaphore, #tpu.memory_space<semaphore_mem>> -> memref<!tpu.dma_semaphore, #tpu.memory_space<semaphore_mem>>
    tpu.enqueue_indirect_dma source(%dma_start3A_29 : memref<20000x384xf32, #tpu.memory_space<hbm>>) target(%dma_start3A_23 : memref<64x384xf32, #tpu.memory_space<vmem>>) offsets(%dma_start3A_26 : memref<64xi32, #tpu.memory_space<vmem>>) semaphore(%dma_start3A_31 : memref<!tpu.dma_semaphore, #tpu.memory_space<semaphore_mem>>)
    %scan3A = arith.constant 0 : i32
    %scan3A_32 = arith.constant 50 : i32
    %scan3A_33 = arith.addi %scan3A, %scan3A_32 : i32
    %scan3A_34 = arith.constant 1 : i32
    scf.for %scan3A_72 = %scan3A to %scan3A_33 step %scan3A_34  : i32 {
      %mul3A_73 = arith.constant 2 : i32
      %mul3A_74 = arith.muli %scan3A_72, %mul3A_73 : i32
      %add3A_75 = arith.constant 0 : i32
      %add3A_76 = arith.addi %add3A_75, %mul3A_74 : i32
      %add3A_77 = arith.constant 0 : i32
      %add3A_78 = arith.addi %add3A_76, %add3A_77 : i32
      %dma_wait3A_79 = arith.constant 0 : i32
      %dma_wait3A_80 = arith.constant 0 : i32
      %dma_wait3A_81 = arith.constant 0 : i32
      %dma_wait3A_82 = arith.constant 0 : i32
      %dma_wait3A_83 = tpu.memref_slice %arg6[%dma_wait3A_79, %dma_wait3A_81, %dma_wait3A_82] : memref<2x64x384xf32, #tpu.memory_space<vmem>> -> memref<1x64x384xf32, #tpu.memory_space<vmem>>
      %dma_wait3A_84 = tpu.memref_squeeze %dma_wait3A_83 : memref<1x64x384xf32, #tpu.memory_space<vmem>> -> memref<64x384xf32, #tpu.memory_space<vmem>>
      %dma_wait3A_85 = arith.constant 0 : i32
      %dma_wait3A_86 = tpu.memref_slice %arg5[%add3A_78, %dma_wait3A_85] : memref<100x64xi32, #tpu.memory_space<vmem>> -> memref<1x64xi32, #tpu.memory_space<vmem>>
      %dma_wait3A_87 = tpu.memref_squeeze %dma_wait3A_86 : memref<1x64xi32, #tpu.memory_space<vmem>> -> memref<64xi32, #tpu.memory_space<vmem>>
      %dma_wait3A_88 = arith.constant 0 : i32
      %dma_wait3A_89 = arith.constant 0 : i32
      %dma_wait3A_90 = tpu.memref_slice %arg2[%dma_wait3A_88, %dma_wait3A_89] : memref<20000x384xf32, #tpu.memory_space<hbm>> -> memref<20000x384xf32, #tpu.memory_space<hbm>>
      %dma_wait3A_91 = tpu.memref_slice %arg8[%dma_wait3A_80] : memref<2x!tpu.dma_semaphore, #tpu.memory_space<semaphore_mem>> -> memref<1x!tpu.dma_semaphore, #tpu.memory_space<semaphore_mem>>
      %dma_wait3A_92 = tpu.memref_squeeze %dma_wait3A_91 : memref<1x!tpu.dma_semaphore, #tpu.memory_space<semaphore_mem>> -> memref<!tpu.dma_semaphore, #tpu.memory_space<semaphore_mem>>
      tpu.wait_indirect_dma semaphore(%dma_wait3A_92 : memref<!tpu.dma_semaphore, #tpu.memory_space<semaphore_mem>>) src(%dma_wait3A_90 : memref<20000x384xf32, #tpu.memory_space<hbm>>) dst(%dma_wait3A_84 : memref<64x384xf32, #tpu.memory_space<vmem>>)
      %ge3A = arith.constant 2 : i32
      %ge3A_93 = arith.cmpi sge, %add3A_78, %ge3A : i32
      %convert_element_type3A = arith.extui %ge3A_93 : i1 to i32
      %cond3A = arith.constant 0 : i32
      %cond3A_94 = arith.cmpi ne, %convert_element_type3A, %cond3A : i32
      scf.if %cond3A_94 {
        %mul3A_179 = arith.constant 64 : i32
        %mul3A_180 = arith.muli %add3A_78, %mul3A_179 : i32
        %add3A_181 = arith.addi %mul3A_2, %mul3A_180 : i32
        %multiple_of3A_182 = tpu.assume_multiple %add3A_181, 8 : i32
        %dma_wait3A_183 = arith.constant 0 : i32
        %dma_wait3A_184 = arith.constant 0 : i32
        %dma_wait3A_185 = arith.constant 0 : i32
        %dma_wait3A_186 = arith.constant 0 : i32
        %dma_wait3A_187 = tpu.memref_slice %arg7[%dma_wait3A_183, %dma_wait3A_185, %dma_wait3A_186] : memref<2x64x300xf32, #tpu.memory_space<vmem>> -> memref<1x64x300xf32, #tpu.memory_space<vmem>>
        %dma_wait3A_188 = tpu.memref_squeeze %dma_wait3A_187 : memref<1x64x300xf32, #tpu.memory_space<vmem>> -> memref<64x300xf32, #tpu.memory_space<vmem>>
        %dma_wait3A_189 = arith.constant 0 : i32
        %dma_wait3A_190 = tpu.memref_slice %arg4[%multiple_of3A_182, %dma_wait3A_189] : memref<204800x300xf32, #tpu.memory_space<hbm>> -> memref<64x300xf32, #tpu.memory_space<hbm>>
        %dma_wait3A_191 = tpu.memref_slice %arg9[%dma_wait3A_184] : memref<2x!tpu.dma_semaphore, #tpu.memory_space<semaphore_mem>> -> memref<1x!tpu.dma_semaphore, #tpu.memory_space<semaphore_mem>>
        %dma_wait3A_192 = tpu.memref_squeeze %dma_wait3A_191 : memref<1x!tpu.dma_semaphore, #tpu.memory_space<semaphore_mem>> -> memref<!tpu.dma_semaphore, #tpu.memory_space<semaphore_mem>>
        %dma_wait3A_193 = arith.constant 0 : i32
        %dma_wait3A_194 = tpu.memref_slice %arg4[%multiple_of3A_182, %dma_wait3A_193] : memref<204800x300xf32, #tpu.memory_space<hbm>> -> memref<64x300xf32, #tpu.memory_space<hbm>>
        %dma_wait3A_195 = arith.constant 0 : i32
        %dma_wait3A_196 = arith.constant 0 : i32
        %dma_wait3A_197 = tpu.memref_slice %arg7[%dma_wait3A_183, %dma_wait3A_195, %dma_wait3A_196] : memref<2x64x300xf32, #tpu.memory_space<vmem>> -> memref<1x64x300xf32, #tpu.memory_space<vmem>>
        %dma_wait3A_198 = tpu.memref_squeeze %dma_wait3A_197 : memref<1x64x300xf32, #tpu.memory_space<vmem>> -> memref<64x300xf32, #tpu.memory_space<vmem>>
        tpu.wait_dma2 semaphore(%dma_wait3A_192 : memref<!tpu.dma_semaphore, #tpu.memory_space<semaphore_mem>>) src(%dma_wait3A_198 : memref<64x300xf32, #tpu.memory_space<vmem>>) dst(%dma_wait3A_194 : memref<64x300xf32, #tpu.memory_space<hbm>>)
      } else {
      }
      %scan3A_95 = arith.constant 0 : i32
      %scan3A_96 = arith.constant 64 : i32
      %scan3A_97 = arith.addi %scan3A_95, %scan3A_96 : i32
      %scan3A_98 = arith.constant 2 : i32
      scf.for %scan3A_179 = %scan3A_95 to %scan3A_97 step %scan3A_98  : i32 {
        %mul3A_180 = arith.constant 1 : i32
        %mul3A_181 = arith.muli %scan3A_179, %mul3A_180 : i32
        %add3A_182 = arith.constant 0 : i32
        %add3A_183 = arith.addi %add3A_182, %mul3A_181 : i32
        %get3A = arith.constant 0 : i32
        %get3A_184 = arith.index_cast %get3A : i32 to index
        %get3A_185 = arith.index_cast %add3A_183 : i32 to index
        %get3A_186 = arith.constant 0 : index
        %get3A_187 = tpu.vector_load %arg6[%get3A_184, %get3A_185, %get3A_186] {strides = array<i32>} : memref<2x64x384xf32, #tpu.memory_space<vmem>>, vector<1x1x16xf32>,
        %get3A_188 = vector.shape_cast %get3A_187 : vector<1x1x16xf32> to vector<16xf32>
        %get3A_189 = arith.constant 0 : i32
        %get3A_190 = arith.index_cast %get3A_189 : i32 to index
        %get3A_191 = arith.index_cast %add3A_183 : i32 to index
        %get3A_192 = arith.constant 16 : index
        %get3A_193 = tpu.vector_load %arg6[%get3A_190, %get3A_191, %get3A_192] {strides = array<i32>} : memref<2x64x384xf32, #tpu.memory_space<vmem>>, vector<1x1x16xf32>,
        %get3A_194 = vector.shape_cast %get3A_193 : vector<1x1x16xf32> to vector<16xf32>
        %get3A_195 = arith.constant 0 : i32
        %get3A_196 = arith.index_cast %get3A_195 : i32 to index
        %get3A_197 = arith.index_cast %add3A_183 : i32 to index
        %get3A_198 = arith.constant 32 : index
        %get3A_199 = tpu.vector_load %arg6[%get3A_196, %get3A_197, %get3A_198] {strides = array<i32>} : memref<2x64x384xf32, #tpu.memory_space<vmem>>, vector<1x1x16xf32>,
        %get3A_200 = vector.shape_cast %get3A_199 : vector<1x1x16xf32> to vector<16xf32>
        %get3A_201 = arith.constant 0 : i32
        %get3A_202 = arith.index_cast %get3A_201 : i32 to index
        %get3A_203 = arith.index_cast %add3A_183 : i32 to index
        %get3A_204 = arith.constant 48 : index
        %get3A_205 = tpu.vector_load %arg6[%get3A_202, %get3A_203, %get3A_204] {strides = array<i32>} : memref<2x64x384xf32, #tpu.memory_space<vmem>>, vector<1x1x16xf32>,
        %get3A_206 = vector.shape_cast %get3A_205 : vector<1x1x16xf32> to vector<16xf32>
        %get3A_207 = arith.constant 0 : i32
        %get3A_208 = arith.index_cast %get3A_207 : i32 to index
        %get3A_209 = arith.index_cast %add3A_183 : i32 to index
        %get3A_210 = arith.constant 64 : index
        %get3A_211 = tpu.vector_load %arg6[%get3A_208, %get3A_209, %get3A_210] {strides = array<i32>} : memref<2x64x384xf32, #tpu.memory_space<vmem>>, vector<1x1x16xf32>,
        %get3A_212 = vector.shape_cast %get3A_211 : vector<1x1x16xf32> to vector<16xf32>
        %get3A_213 = arith.constant 0 : i32
        %get3A_214 = arith.index_cast %get3A_213 : i32 to index
        %get3A_215 = arith.index_cast %add3A_183 : i32 to index
        %get3A_216 = arith.constant 80 : index
        %get3A_217 = tpu.vector_load %arg6[%get3A_214, %get3A_215, %get3A_216] {strides = array<i32>} : memref<2x64x384xf32, #tpu.memory_space<vmem>>, vector<1x1x16xf32>,
        %get3A_218 = vector.shape_cast %get3A_217 : vector<1x1x16xf32> to vector<16xf32>
        %get3A_219 = arith.constant 0 : i32
        %get3A_220 = arith.index_cast %get3A_219 : i32 to index
        %get3A_221 = arith.index_cast %add3A_183 : i32 to index
        %get3A_222 = arith.constant 96 : index
        %get3A_223 = tpu.vector_load %arg6[%get3A_220, %get3A_221, %get3A_222] {strides = array<i32>} : memref<2x64x384xf32, #tpu.memory_space<vmem>>, vector<1x1x16xf32>,
        %get3A_224 = vector.shape_cast %get3A_223 : vector<1x1x16xf32> to vector<16xf32>
        %get3A_225 = arith.constant 0 : i32
        %get3A_226 = arith.index_cast %get3A_225 : i32 to index
        %get3A_227 = arith.index_cast %add3A_183 : i32 to index
        %get3A_228 = arith.constant 112 : index
        %get3A_229 = tpu.vector_load %arg6[%get3A_226, %get3A_227, %get3A_228] {strides = array<i32>} : memref<2x64x384xf32, #tpu.memory_space<vmem>>, vector<1x1x16xf32>,
        %get3A_230 = vector.shape_cast %get3A_229 : vector<1x1x16xf32> to vector<16xf32>
        %get3A_231 = arith.constant 0 : i32
        %get3A_232 = arith.index_cast %get3A_231 : i32 to index
        %get3A_233 = arith.index_cast %add3A_183 : i32 to index
        %get3A_234 = arith.constant 128 : index
        %get3A_235 = tpu.vector_load %arg6[%get3A_232, %get3A_233, %get3A_234] {strides = array<i32>} : memref<2x64x384xf32, #tpu.memory_space<vmem>>, vector<1x1x16xf32>,
        %get3A_236 = vector.shape_cast %get3A_235 : vector<1x1x16xf32> to vector<16xf32>
        %get3A_237 = arith.constant 0 : i32
        %get3A_238 = arith.index_cast %get3A_237 : i32 to index
        %get3A_239 = arith.index_cast %add3A_183 : i32 to index
        %get3A_240 = arith.constant 144 : index
        %get3A_241 = tpu.vector_load %arg6[%get3A_238, %get3A_239, %get3A_240] {strides = array<i32>} : memref<2x64x384xf32, #tpu.memory_space<vmem>>, vector<1x1x16xf32>,
        %get3A_242 = vector.shape_cast %get3A_241 : vector<1x1x16xf32> to vector<16xf32>
        %get3A_243 = arith.constant 0 : i32
        %get3A_244 = arith.index_cast %get3A_243 : i32 to index
        %get3A_245 = arith.index_cast %add3A_183 : i32 to index
        %get3A_246 = arith.constant 160 : index
        %get3A_247 = tpu.vector_load %arg6[%get3A_244, %get3A_245, %get3A_246] {strides = array<i32>} : memref<2x64x384xf32, #tpu.memory_space<vmem>>, vector<1x1x16xf32>,
        %get3A_248 = vector.shape_cast %get3A_247 : vector<1x1x16xf32> to vector<16xf32>
        %get3A_249 = arith.constant 0 : i32
        %get3A_250 = arith.index_cast %get3A_249 : i32 to index
        %get3A_251 = arith.index_cast %add3A_183 : i32 to index
        %get3A_252 = arith.constant 176 : index
        %get3A_253 = tpu.vector_load %arg6[%get3A_250, %get3A_251, %get3A_252] {strides = array<i32>} : memref<2x64x384xf32, #tpu.memory_space<vmem>>, vector<1x1x16xf32>,
        %get3A_254 = vector.shape_cast %get3A_253 : vector<1x1x16xf32> to vector<16xf32>
        %get3A_255 = arith.constant 0 : i32
        %get3A_256 = arith.index_cast %get3A_255 : i32 to index
        %get3A_257 = arith.index_cast %add3A_183 : i32 to index
        %get3A_258 = arith.constant 192 : index
        %get3A_259 = tpu.vector_load %arg6[%get3A_256, %get3A_257, %get3A_258] {strides = array<i32>} : memref<2x64x384xf32, #tpu.memory_space<vmem>>, vector<1x1x16xf32>,
        %get3A_260 = vector.shape_cast %get3A_259 : vector<1x1x16xf32> to vector<16xf32>
        %get3A_261 = arith.constant 0 : i32
        %get3A_262 = arith.index_cast %get3A_261 : i32 to index
        %get3A_263 = arith.index_cast %add3A_183 : i32 to index
        %get3A_264 = arith.constant 208 : index
        %get3A_265 = tpu.vector_load %arg6[%get3A_262, %get3A_263, %get3A_264] {strides = array<i32>} : memref<2x64x384xf32, #tpu.memory_space<vmem>>, vector<1x1x16xf32>,
        %get3A_266 = vector.shape_cast %get3A_265 : vector<1x1x16xf32> to vector<16xf32>
        %get3A_267 = arith.constant 0 : i32
        %get3A_268 = arith.index_cast %get3A_267 : i32 to index
        %get3A_269 = arith.index_cast %add3A_183 : i32 to index
        %get3A_270 = arith.constant 224 : index
        %get3A_271 = tpu.vector_load %arg6[%get3A_268, %get3A_269, %get3A_270] {strides = array<i32>} : memref<2x64x384xf32, #tpu.memory_space<vmem>>, vector<1x1x16xf32>,
        %get3A_272 = vector.shape_cast %get3A_271 : vector<1x1x16xf32> to vector<16xf32>
        %get3A_273 = arith.constant 0 : i32
        %get3A_274 = arith.index_cast %get3A_273 : i32 to index
        %get3A_275 = arith.index_cast %add3A_183 : i32 to index
        %get3A_276 = arith.constant 240 : index
        %get3A_277 = tpu.vector_load %arg6[%get3A_274, %get3A_275, %get3A_276] {strides = array<i32>} : memref<2x64x384xf32, #tpu.memory_space<vmem>>, vector<1x1x16xf32>,
        %get3A_278 = vector.shape_cast %get3A_277 : vector<1x1x16xf32> to vector<16xf32>
        %get3A_279 = arith.constant 0 : i32
        %get3A_280 = arith.index_cast %get3A_279 : i32 to index
        %get3A_281 = arith.index_cast %add3A_183 : i32 to index
        %get3A_282 = arith.constant 256 : index
        %get3A_283 = tpu.vector_load %arg6[%get3A_280, %get3A_281, %get3A_282] {strides = array<i32>} : memref<2x64x384xf32, #tpu.memory_space<vmem>>, vector<1x1x16xf32>,
        %get3A_284 = vector.shape_cast %get3A_283 : vector<1x1x16xf32> to vector<16xf32>
        %get3A_285 = arith.constant 0 : i32
        %get3A_286 = arith.index_cast %get3A_285 : i32 to index
        %get3A_287 = arith.index_cast %add3A_183 : i32 to index
        %get3A_288 = arith.constant 272 : index
        %get3A_289 = tpu.vector_load %arg6[%get3A_286, %get3A_287, %get3A_288] {strides = array<i32>} : memref<2x64x384xf32, #tpu.memory_space<vmem>>, vector<1x1x16xf32>,
        %get3A_290 = vector.shape_cast %get3A_289 : vector<1x1x16xf32> to vector<16xf32>
        %get3A_291 = arith.constant 0 : i32
        %get3A_292 = arith.index_cast %get3A_291 : i32 to index
        %get3A_293 = arith.index_cast %add3A_183 : i32 to index
        %get3A_294 = arith.constant 284 : index
        %get3A_295 = tpu.vector_load %arg6[%get3A_292, %get3A_293, %get3A_294] {strides = array<i32>} : memref<2x64x384xf32, #tpu.memory_space<vmem>>, vector<1x1x16xf32>,
        %get3A_296 = vector.shape_cast %get3A_295 : vector<1x1x16xf32> to vector<16xf32>
        %swap3A = arith.constant 0 : i32
        %swap3A_297 = arith.index_cast %swap3A : i32 to index
        %swap3A_298 = arith.index_cast %add3A_183 : i32 to index
        %swap3A_299 = arith.constant 0 : index
        %swap3A_300 = tpu.vector_load %arg7[%swap3A_297, %swap3A_298, %swap3A_299] {strides = array<i32>} : memref<2x64x300xf32, #tpu.memory_space<vmem>>, vector<1x1x16xf32>,
        %swap3A_301 = vector.shape_cast %swap3A_300 : vector<1x1x16xf32> to vector<16xf32>
        %swap3A_302 = vector.shape_cast %get3A_188 : vector<16xf32> to vector<1x1x16xf32>
        tpu.vector_store %arg7[%swap3A_297, %swap3A_298, %swap3A_299], %swap3A_302 {strides = array<i32>} : memref<2x64x300xf32, #tpu.memory_space<vmem>>, vector<1x1x16xf32>,
        %swap3A_303 = arith.constant 0 : i32
        %swap3A_304 = arith.index_cast %swap3A_303 : i32 to index
        %swap3A_305 = arith.index_cast %add3A_183 : i32 to index
        %swap3A_306 = arith.constant 16 : index
        %swap3A_307 = tpu.vector_load %arg7[%swap3A_304, %swap3A_305, %swap3A_306] {strides = array<i32>} : memref<2x64x300xf32, #tpu.memory_space<vmem>>, vector<1x1x16xf32>,
        %swap3A_308 = vector.shape_cast %swap3A_307 : vector<1x1x16xf32> to vector<16xf32>
        %swap3A_309 = vector.shape_cast %get3A_194 : vector<16xf32> to vector<1x1x16xf32>
        tpu.vector_store %arg7[%swap3A_304, %swap3A_305, %swap3A_306], %swap3A_309 {strides = array<i32>} : memref<2x64x300xf32, #tpu.memory_space<vmem>>, vector<1x1x16xf32>,
        %swap3A_310 = arith.constant 0 : i32
        %swap3A_311 = arith.index_cast %swap3A_310 : i32 to index
        %swap3A_312 = arith.index_cast %add3A_183 : i32 to index
        %swap3A_313 = arith.constant 32 : index
        %swap3A_314 = tpu.vector_load %arg7[%swap3A_311, %swap3A_312, %swap3A_313] {strides = array<i32>} : memref<2x64x300xf32, #tpu.memory_space<vmem>>, vector<1x1x16xf32>,
        %swap3A_315 = vector.shape_cast %swap3A_314 : vector<1x1x16xf32> to vector<16xf32>
        %swap3A_316 = vector.shape_cast %get3A_200 : vector<16xf32> to vector<1x1x16xf32>
        tpu.vector_store %arg7[%swap3A_311, %swap3A_312, %swap3A_313], %swap3A_316 {strides = array<i32>} : memref<2x64x300xf32, #tpu.memory_space<vmem>>, vector<1x1x16xf32>,
        %swap3A_317 = arith.constant 0 : i32
        %swap3A_318 = arith.index_cast %swap3A_317 : i32 to index
        %swap3A_319 = arith.index_cast %add3A_183 : i32 to index
        %swap3A_320 = arith.constant 48 : index
        %swap3A_321 = tpu.vector_load %arg7[%swap3A_318, %swap3A_319, %swap3A_320] {strides = array<i32>} : memref<2x64x300xf32, #tpu.memory_space<vmem>>, vector<1x1x16xf32>,
        %swap3A_322 = vector.shape_cast %swap3A_321 : vector<1x1x16xf32> to vector<16xf32>
        %swap3A_323 = vector.shape_cast %get3A_206 : vector<16xf32> to vector<1x1x16xf32>
        tpu.vector_store %arg7[%swap3A_318, %swap3A_319, %swap3A_320], %swap3A_323 {strides = array<i32>} : memref<2x64x300xf32, #tpu.memory_space<vmem>>, vector<1x1x16xf32>,
        %swap3A_324 = arith.constant 0 : i32
        %swap3A_325 = arith.index_cast %swap3A_324 : i32 to index
        %swap3A_326 = arith.index_cast %add3A_183 : i32 to index
        %swap3A_327 = arith.constant 64 : index
        %swap3A_328 = tpu.vector_load %arg7[%swap3A_325, %swap3A_326, %swap3A_327] {strides = array<i32>} : memref<2x64x300xf32, #tpu.memory_space<vmem>>, vector<1x1x16xf32>,
        %swap3A_329 = vector.shape_cast %swap3A_328 : vector<1x1x16xf32> to vector<16xf32>
        %swap3A_330 = vector.shape_cast %get3A_212 : vector<16xf32> to vector<1x1x16xf32>
        tpu.vector_store %arg7[%swap3A_325, %swap3A_326, %swap3A_327], %swap3A_330 {strides = array<i32>} : memref<2x64x300xf32, #tpu.memory_space<vmem>>, vector<1x1x16xf32>,
        %swap3A_331 = arith.constant 0 : i32
        %swap3A_332 = arith.index_cast %swap3A_331 : i32 to index
        %swap3A_333 = arith.index_cast %add3A_183 : i32 to index
        %swap3A_334 = arith.constant 80 : index
        %swap3A_335 = tpu.vector_load %arg7[%swap3A_332, %swap3A_333, %swap3A_334] {strides = array<i32>} : memref<2x64x300xf32, #tpu.memory_space<vmem>>, vector<1x1x16xf32>,
        %swap3A_336 = vector.shape_cast %swap3A_335 : vector<1x1x16xf32> to vector<16xf32>
        %swap3A_337 = vector.shape_cast %get3A_218 : vector<16xf32> to vector<1x1x16xf32>
        tpu.vector_store %arg7[%swap3A_332, %swap3A_333, %swap3A_334], %swap3A_337 {strides = array<i32>} : memref<2x64x300xf32, #tpu.memory_space<vmem>>, vector<1x1x16xf32>,
        %swap3A_338 = arith.constant 0 : i32
        %swap3A_339 = arith.index_cast %swap3A_338 : i32 to index
        %swap3A_340 = arith.index_cast %add3A_183 : i32 to index
        %swap3A_341 = arith.constant 96 : index
        %swap3A_342 = tpu.vector_load %arg7[%swap3A_339, %swap3A_340, %swap3A_341] {strides = array<i32>} : memref<2x64x300xf32, #tpu.memory_space<vmem>>, vector<1x1x16xf32>,
        %swap3A_343 = vector.shape_cast %swap3A_342 : vector<1x1x16xf32> to vector<16xf32>
        %swap3A_344 = vector.shape_cast %get3A_224 : vector<16xf32> to vector<1x1x16xf32>
        tpu.vector_store %arg7[%swap3A_339, %swap3A_340, %swap3A_341], %swap3A_344 {strides = array<i32>} : memref<2x64x300xf32, #tpu.memory_space<vmem>>, vector<1x1x16xf32>,
        %swap3A_345 = arith.constant 0 : i32
        %swap3A_346 = arith.index_cast %swap3A_345 : i32 to index
        %swap3A_347 = arith.index_cast %add3A_183 : i32 to index
        %swap3A_348 = arith.constant 112 : index
        %swap3A_349 = tpu.vector_load %arg7[%swap3A_346, %swap3A_347, %swap3A_348] {strides = array<i32>} : memref<2x64x300xf32, #tpu.memory_space<vmem>>, vector<1x1x16xf32>,
        %swap3A_350 = vector.shape_cast %swap3A_349 : vector<1x1x16xf32> to vector<16xf32>
        %swap3A_351 = vector.shape_cast %get3A_230 : vector<16xf32> to vector<1x1x16xf32>
        tpu.vector_store %arg7[%swap3A_346, %swap3A_347, %swap3A_348], %swap3A_351 {strides = array<i32>} : memref<2x64x300xf32, #tpu.memory_space<vmem>>, vector<1x1x16xf32>,
        %swap3A_352 = arith.constant 0 : i32
        %swap3A_353 = arith.index_cast %swap3A_352 : i32 to index
        %swap3A_354 = arith.index_cast %add3A_183 : i32 to index
        %swap3A_355 = arith.constant 128 : index
        %swap3A_356 = tpu.vector_load %arg7[%swap3A_353, %swap3A_354, %swap3A_355] {strides = array<i32>} : memref<2x64x300xf32, #tpu.memory_space<vmem>>, vector<1x1x16xf32>,
        %swap3A_357 = vector.shape_cast %swap3A_356 : vector<1x1x16xf32> to vector<16xf32>
        %swap3A_358 = vector.shape_cast %get3A_236 : vector<16xf32> to vector<1x1x16xf32>
        tpu.vector_store %arg7[%swap3A_353, %swap3A_354, %swap3A_355], %swap3A_358 {strides = array<i32>} : memref<2x64x300xf32, #tpu.memory_space<vmem>>, vector<1x1x16xf32>,
        %swap3A_359 = arith.constant 0 : i32
        %swap3A_360 = arith.index_cast %swap3A_359 : i32 to index
        %swap3A_361 = arith.index_cast %add3A_183 : i32 to index
        %swap3A_362 = arith.constant 144 : index
        %swap3A_363 = tpu.vector_load %arg7[%swap3A_360, %swap3A_361, %swap3A_362] {strides = array<i32>} : memref<2x64x300xf32, #tpu.memory_space<vmem>>, vector<1x1x16xf32>,
        %swap3A_364 = vector.shape_cast %swap3A_363 : vector<1x1x16xf32> to vector<16xf32>
        %swap3A_365 = vector.shape_cast %get3A_242 : vector<16xf32> to vector<1x1x16xf32>
        tpu.vector_store %arg7[%swap3A_360, %swap3A_361, %swap3A_362], %swap3A_365 {strides = array<i32>} : memref<2x64x300xf32, #tpu.memory_space<vmem>>, vector<1x1x16xf32>,
        %swap3A_366 = arith.constant 0 : i32
        %swap3A_367 = arith.index_cast %swap3A_366 : i32 to index
        %swap3A_368 = arith.index_cast %add3A_183 : i32 to index
        %swap3A_369 = arith.constant 160 : index
        %swap3A_370 = tpu.vector_load %arg7[%swap3A_367, %swap3A_368, %swap3A_369] {strides = array<i32>} : memref<2x64x300xf32, #tpu.memory_space<vmem>>, vector<1x1x16xf32>,
        %swap3A_371 = vector.shape_cast %swap3A_370 : vector<1x1x16xf32> to vector<16xf32>
        %swap3A_372 = vector.shape_cast %get3A_248 : vector<16xf32> to vector<1x1x16xf32>
        tpu.vector_store %arg7[%swap3A_367, %swap3A_368, %swap3A_369], %swap3A_372 {strides = array<i32>} : memref<2x64x300xf32, #tpu.memory_space<vmem>>, vector<1x1x16xf32>,
        %swap3A_373 = arith.constant 0 : i32
        %swap3A_374 = arith.index_cast %swap3A_373 : i32 to index
        %swap3A_375 = arith.index_cast %add3A_183 : i32 to index
        %swap3A_376 = arith.constant 176 : index
        %swap3A_377 = tpu.vector_load %arg7[%swap3A_374, %swap3A_375, %swap3A_376] {strides = array<i32>} : memref<2x64x300xf32, #tpu.memory_space<vmem>>, vector<1x1x16xf32>,
        %swap3A_378 = vector.shape_cast %swap3A_377 : vector<1x1x16xf32> to vector<16xf32>
        %swap3A_379 = vector.shape_cast %get3A_254 : vector<16xf32> to vector<1x1x16xf32>
        tpu.vector_store %arg7[%swap3A_374, %swap3A_375, %swap3A_376], %swap3A_379 {strides = array<i32>} : memref<2x64x300xf32, #tpu.memory_space<vmem>>, vector<1x1x16xf32>,
        %swap3A_380 = arith.constant 0 : i32
        %swap3A_381 = arith.index_cast %swap3A_380 : i32 to index
        %swap3A_382 = arith.index_cast %add3A_183 : i32 to index
        %swap3A_383 = arith.constant 192 : index
        %swap3A_384 = tpu.vector_load %arg7[%swap3A_381, %swap3A_382, %swap3A_383] {strides = array<i32>} : memref<2x64x300xf32, #tpu.memory_space<vmem>>, vector<1x1x16xf32>,
        %swap3A_385 = vector.shape_cast %swap3A_384 : vector<1x1x16xf32> to vector<16xf32>
        %swap3A_386 = vector.shape_cast %get3A_260 : vector<16xf32> to vector<1x1x16xf32>
        tpu.vector_store %arg7[%swap3A_381, %swap3A_382, %swap3A_383], %swap3A_386 {strides = array<i32>} : memref<2x64x300xf32, #tpu.memory_space<vmem>>, vector<1x1x16xf32>,
        %swap3A_387 = arith.constant 0 : i32
        %swap3A_388 = arith.index_cast %swap3A_387 : i32 to index
        %swap3A_389 = arith.index_cast %add3A_183 : i32 to index
        %swap3A_390 = arith.constant 208 : index
        %swap3A_391 = tpu.vector_load %arg7[%swap3A_388, %swap3A_389, %swap3A_390] {strides = array<i32>} : memref<2x64x300xf32, #tpu.memory_space<vmem>>, vector<1x1x16xf32>,
        %swap3A_392 = vector.shape_cast %swap3A_391 : vector<1x1x16xf32> to vector<16xf32>
        %swap3A_393 = vector.shape_cast %get3A_266 : vector<16xf32> to vector<1x1x16xf32>
        tpu.vector_store %arg7[%swap3A_388, %swap3A_389, %swap3A_390], %swap3A_393 {strides = array<i32>} : memref<2x64x300xf32, #tpu.memory_space<vmem>>, vector<1x1x16xf32>,
        %swap3A_394 = arith.constant 0 : i32
        %swap3A_395 = arith.index_cast %swap3A_394 : i32 to index
        %swap3A_396 = arith.index_cast %add3A_183 : i32 to index
        %swap3A_397 = arith.constant 224 : index
        %swap3A_398 = tpu.vector_load %arg7[%swap3A_395, %swap3A_396, %swap3A_397] {strides = array<i32>} : memref<2x64x300xf32, #tpu.memory_space<vmem>>, vector<1x1x16xf32>,
        %swap3A_399 = vector.shape_cast %swap3A_398 : vector<1x1x16xf32> to vector<16xf32>
        %swap3A_400 = vector.shape_cast %get3A_272 : vector<16xf32> to vector<1x1x16xf32>
        tpu.vector_store %arg7[%swap3A_395, %swap3A_396, %swap3A_397], %swap3A_400 {strides = array<i32>} : memref<2x64x300xf32, #tpu.memory_space<vmem>>, vector<1x1x16xf32>,
        %swap3A_401 = arith.constant 0 : i32
        %swap3A_402 = arith.index_cast %swap3A_401 : i32 to index
        %swap3A_403 = arith.index_cast %add3A_183 : i32 to index
        %swap3A_404 = arith.constant 240 : index
        %swap3A_405 = tpu.vector_load %arg7[%swap3A_402, %swap3A_403, %swap3A_404] {strides = array<i32>} : memref<2x64x300xf32, #tpu.memory_space<vmem>>, vector<1x1x16xf32>,
        %swap3A_406 = vector.shape_cast %swap3A_405 : vector<1x1x16xf32> to vector<16xf32>
        %swap3A_407 = vector.shape_cast %get3A_278 : vector<16xf32> to vector<1x1x16xf32>
        tpu.vector_store %arg7[%swap3A_402, %swap3A_403, %swap3A_404], %swap3A_407 {strides = array<i32>} : memref<2x64x300xf32, #tpu.memory_space<vmem>>, vector<1x1x16xf32>,
        %swap3A_408 = arith.constant 0 : i32
        %swap3A_409 = arith.index_cast %swap3A_408 : i32 to index
        %swap3A_410 = arith.index_cast %add3A_183 : i32 to index
        %swap3A_411 = arith.constant 256 : index
        %swap3A_412 = tpu.vector_load %arg7[%swap3A_409, %swap3A_410, %swap3A_411] {strides = array<i32>} : memref<2x64x300xf32, #tpu.memory_space<vmem>>, vector<1x1x16xf32>,
        %swap3A_413 = vector.shape_cast %swap3A_412 : vector<1x1x16xf32> to vector<16xf32>
        %swap3A_414 = vector.shape_cast %get3A_284 : vector<16xf32> to vector<1x1x16xf32>
        tpu.vector_store %arg7[%swap3A_409, %swap3A_410, %swap3A_411], %swap3A_414 {strides = array<i32>} : memref<2x64x300xf32, #tpu.memory_space<vmem>>, vector<1x1x16xf32>,
        %swap3A_415 = arith.constant 0 : i32
        %swap3A_416 = arith.index_cast %swap3A_415 : i32 to index
        %swap3A_417 = arith.index_cast %add3A_183 : i32 to index
        %swap3A_418 = arith.constant 272 : index
        %swap3A_419 = tpu.vector_load %arg7[%swap3A_416, %swap3A_417, %swap3A_418] {strides = array<i32>} : memref<2x64x300xf32, #tpu.memory_space<vmem>>, vector<1x1x16xf32>,
        %swap3A_420 = vector.shape_cast %swap3A_419 : vector<1x1x16xf32> to vector<16xf32>
        %swap3A_421 = vector.shape_cast %get3A_290 : vector<16xf32> to vector<1x1x16xf32>
        tpu.vector_store %arg7[%swap3A_416, %swap3A_417, %swap3A_418], %swap3A_421 {strides = array<i32>} : memref<2x64x300xf32, #tpu.memory_space<vmem>>, vector<1x1x16xf32>,
        %swap3A_422 = arith.constant 0 : i32
        %swap3A_423 = arith.index_cast %swap3A_422 : i32 to index
        %swap3A_424 = arith.index_cast %add3A_183 : i32 to index
        %swap3A_425 = arith.constant 284 : index
        %swap3A_426 = tpu.vector_load %arg7[%swap3A_423, %swap3A_424, %swap3A_425] {strides = array<i32>} : memref<2x64x300xf32, #tpu.memory_space<vmem>>, vector<1x1x16xf32>,
        %swap3A_427 = vector.shape_cast %swap3A_426 : vector<1x1x16xf32> to vector<16xf32>
        %swap3A_428 = vector.shape_cast %get3A_296 : vector<16xf32> to vector<1x1x16xf32>
        tpu.vector_store %arg7[%swap3A_423, %swap3A_424, %swap3A_425], %swap3A_428 {strides = array<i32>} : memref<2x64x300xf32, #tpu.memory_space<vmem>>, vector<1x1x16xf32>,
        %scan3A_429 = arith.constant 1 : i32
        %scan3A_430 = arith.addi %scan3A_179, %scan3A_429 : i32
        %mul3A_431 = arith.constant 1 : i32
        %mul3A_432 = arith.muli %scan3A_430, %mul3A_431 : i32
        %add3A_433 = arith.constant 0 : i32
        %add3A_434 = arith.addi %add3A_433, %mul3A_432 : i32
        %get3A_435 = arith.constant 0 : i32
        %get3A_436 = arith.index_cast %get3A_435 : i32 to index
        %get3A_437 = arith.index_cast %add3A_434 : i32 to index
        %get3A_438 = arith.constant 0 : index
        %get3A_439 = tpu.vector_load %arg6[%get3A_436, %get3A_437, %get3A_438] {strides = array<i32>} : memref<2x64x384xf32, #tpu.memory_space<vmem>>, vector<1x1x16xf32>,
        %get3A_440 = vector.shape_cast %get3A_439 : vector<1x1x16xf32> to vector<16xf32>
        %get3A_441 = arith.constant 0 : i32
        %get3A_442 = arith.index_cast %get3A_441 : i32 to index
        %get3A_443 = arith.index_cast %add3A_434 : i32 to index
        %get3A_444 = arith.constant 16 : index
        %get3A_445 = tpu.vector_load %arg6[%get3A_442, %get3A_443, %get3A_444] {strides = array<i32>} : memref<2x64x384xf32, #tpu.memory_space<vmem>>, vector<1x1x16xf32>,
        %get3A_446 = vector.shape_cast %get3A_445 : vector<1x1x16xf32> to vector<16xf32>
        %get3A_447 = arith.constant 0 : i32
        %get3A_448 = arith.index_cast %get3A_447 : i32 to index
        %get3A_449 = arith.index_cast %add3A_434 : i32 to index
        %get3A_450 = arith.constant 32 : index
        %get3A_451 = tpu.vector_load %arg6[%get3A_448, %get3A_449, %get3A_450] {strides = array<i32>} : memref<2x64x384xf32, #tpu.memory_space<vmem>>, vector<1x1x16xf32>,
        %get3A_452 = vector.shape_cast %get3A_451 : vector<1x1x16xf32> to vector<16xf32>
        %get3A_453 = arith.constant 0 : i32
        %get3A_454 = arith.index_cast %get3A_453 : i32 to index
        %get3A_455 = arith.index_cast %add3A_434 : i32 to index
        %get3A_456 = arith.constant 48 : index
        %get3A_457 = tpu.vector_load %arg6[%get3A_454, %get3A_455, %get3A_456] {strides = array<i32>} : memref<2x64x384xf32, #tpu.memory_space<vmem>>, vector<1x1x16xf32>,
        %get3A_458 = vector.shape_cast %get3A_457 : vector<1x1x16xf32> to vector<16xf32>
        %get3A_459 = arith.constant 0 : i32
        %get3A_460 = arith.index_cast %get3A_459 : i32 to index
        %get3A_461 = arith.index_cast %add3A_434 : i32 to index
        %get3A_462 = arith.constant 64 : index
        %get3A_463 = tpu.vector_load %arg6[%get3A_460, %get3A_461, %get3A_462] {strides = array<i32>} : memref<2x64x384xf32, #tpu.memory_space<vmem>>, vector<1x1x16xf32>,
        %get3A_464 = vector.shape_cast %get3A_463 : vector<1x1x16xf32> to vector<16xf32>
        %get3A_465 = arith.constant 0 : i32
        %get3A_466 = arith.index_cast %get3A_465 : i32 to index
        %get3A_467 = arith.index_cast %add3A_434 : i32 to index
        %get3A_468 = arith.constant 80 : index
        %get3A_469 = tpu.vector_load %arg6[%get3A_466, %get3A_467, %get3A_468] {strides = array<i32>} : memref<2x64x384xf32, #tpu.memory_space<vmem>>, vector<1x1x16xf32>,
        %get3A_470 = vector.shape_cast %get3A_469 : vector<1x1x16xf32> to vector<16xf32>
        %get3A_471 = arith.constant 0 : i32
        %get3A_472 = arith.index_cast %get3A_471 : i32 to index
        %get3A_473 = arith.index_cast %add3A_434 : i32 to index
        %get3A_474 = arith.constant 96 : index
        %get3A_475 = tpu.vector_load %arg6[%get3A_472, %get3A_473, %get3A_474] {strides = array<i32>} : memref<2x64x384xf32, #tpu.memory_space<vmem>>, vector<1x1x16xf32>,
        %get3A_476 = vector.shape_cast %get3A_475 : vector<1x1x16xf32> to vector<16xf32>
        %get3A_477 = arith.constant 0 : i32
        %get3A_478 = arith.index_cast %get3A_477 : i32 to index
        %get3A_479 = arith.index_cast %add3A_434 : i32 to index
        %get3A_480 = arith.constant 112 : index
        %get3A_481 = tpu.vector_load %arg6[%get3A_478, %get3A_479, %get3A_480] {strides = array<i32>} : memref<2x64x384xf32, #tpu.memory_space<vmem>>, vector<1x1x16xf32>,
        %get3A_482 = vector.shape_cast %get3A_481 : vector<1x1x16xf32> to vector<16xf32>
        %get3A_483 = arith.constant 0 : i32
        %get3A_484 = arith.index_cast %get3A_483 : i32 to index
        %get3A_485 = arith.index_cast %add3A_434 : i32 to index
        %get3A_486 = arith.constant 128 : index
        %get3A_487 = tpu.vector_load %arg6[%get3A_484, %get3A_485, %get3A_486] {strides = array<i32>} : memref<2x64x384xf32, #tpu.memory_space<vmem>>, vector<1x1x16xf32>,
        %get3A_488 = vector.shape_cast %get3A_487 : vector<1x1x16xf32> to vector<16xf32>
        %get3A_489 = arith.constant 0 : i32
        %get3A_490 = arith.index_cast %get3A_489 : i32 to index
        %get3A_491 = arith.index_cast %add3A_434 : i32 to index
        %get3A_492 = arith.constant 144 : index
        %get3A_493 = tpu.vector_load %arg6[%get3A_490, %get3A_491, %get3A_492] {strides = array<i32>} : memref<2x64x384xf32, #tpu.memory_space<vmem>>, vector<1x1x16xf32>,
        %get3A_494 = vector.shape_cast %get3A_493 : vector<1x1x16xf32> to vector<16xf32>
        %get3A_495 = arith.constant 0 : i32
        %get3A_496 = arith.index_cast %get3A_495 : i32 to index
        %get3A_497 = arith.index_cast %add3A_434 : i32 to index
        %get3A_498 = arith.constant 160 : index
        %get3A_499 = tpu.vector_load %arg6[%get3A_496, %get3A_497, %get3A_498] {strides = array<i32>} : memref<2x64x384xf32, #tpu.memory_space<vmem>>, vector<1x1x16xf32>,
        %get3A_500 = vector.shape_cast %get3A_499 : vector<1x1x16xf32> to vector<16xf32>
        %get3A_501 = arith.constant 0 : i32
        %get3A_502 = arith.index_cast %get3A_501 : i32 to index
        %get3A_503 = arith.index_cast %add3A_434 : i32 to index
        %get3A_504 = arith.constant 176 : index
        %get3A_505 = tpu.vector_load %arg6[%get3A_502, %get3A_503, %get3A_504] {strides = array<i32>} : memref<2x64x384xf32, #tpu.memory_space<vmem>>, vector<1x1x16xf32>,
        %get3A_506 = vector.shape_cast %get3A_505 : vector<1x1x16xf32> to vector<16xf32>
        %get3A_507 = arith.constant 0 : i32
        %get3A_508 = arith.index_cast %get3A_507 : i32 to index
        %get3A_509 = arith.index_cast %add3A_434 : i32 to index
        %get3A_510 = arith.constant 192 : index
        %get3A_511 = tpu.vector_load %arg6[%get3A_508, %get3A_509, %get3A_510] {strides = array<i32>} : memref<2x64x384xf32, #tpu.memory_space<vmem>>, vector<1x1x16xf32>,
        %get3A_512 = vector.shape_cast %get3A_511 : vector<1x1x16xf32> to vector<16xf32>
        %get3A_513 = arith.constant 0 : i32
        %get3A_514 = arith.index_cast %get3A_513 : i32 to index
        %get3A_515 = arith.index_cast %add3A_434 : i32 to index
        %get3A_516 = arith.constant 208 : index
        %get3A_517 = tpu.vector_load %arg6[%get3A_514, %get3A_515, %get3A_516] {strides = array<i32>} : memref<2x64x384xf32, #tpu.memory_space<vmem>>, vector<1x1x16xf32>,
        %get3A_518 = vector.shape_cast %get3A_517 : vector<1x1x16xf32> to vector<16xf32>
        %get3A_519 = arith.constant 0 : i32
        %get3A_520 = arith.index_cast %get3A_519 : i32 to index
        %get3A_521 = arith.index_cast %add3A_434 : i32 to index
        %get3A_522 = arith.constant 224 : index
        %get3A_523 = tpu.vector_load %arg6[%get3A_520, %get3A_521, %get3A_522] {strides = array<i32>} : memref<2x64x384xf32, #tpu.memory_space<vmem>>, vector<1x1x16xf32>,
        %get3A_524 = vector.shape_cast %get3A_523 : vector<1x1x16xf32> to vector<16xf32>
        %get3A_525 = arith.constant 0 : i32
        %get3A_526 = arith.index_cast %get3A_525 : i32 to index
        %get3A_527 = arith.index_cast %add3A_434 : i32 to index
        %get3A_528 = arith.constant 240 : index
        %get3A_529 = tpu.vector_load %arg6[%get3A_526, %get3A_527, %get3A_528] {strides = array<i32>} : memref<2x64x384xf32, #tpu.memory_space<vmem>>, vector<1x1x16xf32>,
        %get3A_530 = vector.shape_cast %get3A_529 : vector<1x1x16xf32> to vector<16xf32>
        %get3A_531 = arith.constant 0 : i32
        %get3A_532 = arith.index_cast %get3A_531 : i32 to index
        %get3A_533 = arith.index_cast %add3A_434 : i32 to index
        %get3A_534 = arith.constant 256 : index
        %get3A_535 = tpu.vector_load %arg6[%get3A_532, %get3A_533, %get3A_534] {strides = array<i32>} : memref<2x64x384xf32, #tpu.memory_space<vmem>>, vector<1x1x16xf32>,
        %get3A_536 = vector.shape_cast %get3A_535 : vector<1x1x16xf32> to vector<16xf32>
        %get3A_537 = arith.constant 0 : i32
        %get3A_538 = arith.index_cast %get3A_537 : i32 to index
        %get3A_539 = arith.index_cast %add3A_434 : i32 to index
        %get3A_540 = arith.constant 272 : index
        %get3A_541 = tpu.vector_load %arg6[%get3A_538, %get3A_539, %get3A_540] {strides = array<i32>} : memref<2x64x384xf32, #tpu.memory_space<vmem>>, vector<1x1x16xf32>,
        %get3A_542 = vector.shape_cast %get3A_541 : vector<1x1x16xf32> to vector<16xf32>
        %get3A_543 = arith.constant 0 : i32
        %get3A_544 = arith.index_cast %get3A_543 : i32 to index
        %get3A_545 = arith.index_cast %add3A_434 : i32 to index
        %get3A_546 = arith.constant 284 : index
        %get3A_547 = tpu.vector_load %arg6[%get3A_544, %get3A_545, %get3A_546] {strides = array<i32>} : memref<2x64x384xf32, #tpu.memory_space<vmem>>, vector<1x1x16xf32>,
        %get3A_548 = vector.shape_cast %get3A_547 : vector<1x1x16xf32> to vector<16xf32>
        %swap3A_549 = arith.constant 0 : i32
        %swap3A_550 = arith.index_cast %swap3A_549 : i32 to index
        %swap3A_551 = arith.index_cast %add3A_434 : i32 to index
        %swap3A_552 = arith.constant 0 : index
        %swap3A_553 = tpu.vector_load %arg7[%swap3A_550, %swap3A_551, %swap3A_552] {strides = array<i32>} : memref<2x64x300xf32, #tpu.memory_space<vmem>>, vector<1x1x16xf32>,
        %swap3A_554 = vector.shape_cast %swap3A_553 : vector<1x1x16xf32> to vector<16xf32>
        %swap3A_555 = vector.shape_cast %get3A_440 : vector<16xf32> to vector<1x1x16xf32>
        tpu.vector_store %arg7[%swap3A_550, %swap3A_551, %swap3A_552], %swap3A_555 {strides = array<i32>} : memref<2x64x300xf32, #tpu.memory_space<vmem>>, vector<1x1x16xf32>,
        %swap3A_556 = arith.constant 0 : i32
        %swap3A_557 = arith.index_cast %swap3A_556 : i32 to index
        %swap3A_558 = arith.index_cast %add3A_434 : i32 to index
        %swap3A_559 = arith.constant 16 : index
        %swap3A_560 = tpu.vector_load %arg7[%swap3A_557, %swap3A_558, %swap3A_559] {strides = array<i32>} : memref<2x64x300xf32, #tpu.memory_space<vmem>>, vector<1x1x16xf32>,
        %swap3A_561 = vector.shape_cast %swap3A_560 : vector<1x1x16xf32> to vector<16xf32>
        %swap3A_562 = vector.shape_cast %get3A_446 : vector<16xf32> to vector<1x1x16xf32>
        tpu.vector_store %arg7[%swap3A_557, %swap3A_558, %swap3A_559], %swap3A_562 {strides = array<i32>} : memref<2x64x300xf32, #tpu.memory_space<vmem>>, vector<1x1x16xf32>,
        %swap3A_563 = arith.constant 0 : i32
        %swap3A_564 = arith.index_cast %swap3A_563 : i32 to index
        %swap3A_565 = arith.index_cast %add3A_434 : i32 to index
        %swap3A_566 = arith.constant 32 : index
        %swap3A_567 = tpu.vector_load %arg7[%swap3A_564, %swap3A_565, %swap3A_566] {strides = array<i32>} : memref<2x64x300xf32, #tpu.memory_space<vmem>>, vector<1x1x16xf32>,
        %swap3A_568 = vector.shape_cast %swap3A_567 : vector<1x1x16xf32> to vector<16xf32>
        %swap3A_569 = vector.shape_cast %get3A_452 : vector<16xf32> to vector<1x1x16xf32>
        tpu.vector_store %arg7[%swap3A_564, %swap3A_565, %swap3A_566], %swap3A_569 {strides = array<i32>} : memref<2x64x300xf32, #tpu.memory_space<vmem>>, vector<1x1x16xf32>,
        %swap3A_570 = arith.constant 0 : i32
        %swap3A_571 = arith.index_cast %swap3A_570 : i32 to index
        %swap3A_572 = arith.index_cast %add3A_434 : i32 to index
        %swap3A_573 = arith.constant 48 : index
        %swap3A_574 = tpu.vector_load %arg7[%swap3A_571, %swap3A_572, %swap3A_573] {strides = array<i32>} : memref<2x64x300xf32, #tpu.memory_space<vmem>>, vector<1x1x16xf32>,
        %swap3A_575 = vector.shape_cast %swap3A_574 : vector<1x1x16xf32> to vector<16xf32>
        %swap3A_576 = vector.shape_cast %get3A_458 : vector<16xf32> to vector<1x1x16xf32>
        tpu.vector_store %arg7[%swap3A_571, %swap3A_572, %swap3A_573], %swap3A_576 {strides = array<i32>} : memref<2x64x300xf32, #tpu.memory_space<vmem>>, vector<1x1x16xf32>,
        %swap3A_577 = arith.constant 0 : i32
        %swap3A_578 = arith.index_cast %swap3A_577 : i32 to index
        %swap3A_579 = arith.index_cast %add3A_434 : i32 to index
        %swap3A_580 = arith.constant 64 : index
        %swap3A_581 = tpu.vector_load %arg7[%swap3A_578, %swap3A_579, %swap3A_580] {strides = array<i32>} : memref<2x64x300xf32, #tpu.memory_space<vmem>>, vector<1x1x16xf32>,
        %swap3A_582 = vector.shape_cast %swap3A_581 : vector<1x1x16xf32> to vector<16xf32>
        %swap3A_583 = vector.shape_cast %get3A_464 : vector<16xf32> to vector<1x1x16xf32>
        tpu.vector_store %arg7[%swap3A_578, %swap3A_579, %swap3A_580], %swap3A_583 {strides = array<i32>} : memref<2x64x300xf32, #tpu.memory_space<vmem>>, vector<1x1x16xf32>,
        %swap3A_584 = arith.constant 0 : i32
        %swap3A_585 = arith.index_cast %swap3A_584 : i32 to index
        %swap3A_586 = arith.index_cast %add3A_434 : i32 to index
        %swap3A_587 = arith.constant 80 : index
        %swap3A_588 = tpu.vector_load %arg7[%swap3A_585, %swap3A_586, %swap3A_587] {strides = array<i32>} : memref<2x64x300xf32, #tpu.memory_space<vmem>>, vector<1x1x16xf32>,
        %swap3A_589 = vector.shape_cast %swap3A_588 : vector<1x1x16xf32> to vector<16xf32>
        %swap3A_590 = vector.shape_cast %get3A_470 : vector<16xf32> to vector<1x1x16xf32>
        tpu.vector_store %arg7[%swap3A_585, %swap3A_586, %swap3A_587], %swap3A_590 {strides = array<i32>} : memref<2x64x300xf32, #tpu.memory_space<vmem>>, vector<1x1x16xf32>,
        %swap3A_591 = arith.constant 0 : i32
        %swap3A_592 = arith.index_cast %swap3A_591 : i32 to index
        %swap3A_593 = arith.index_cast %add3A_434 : i32 to index
        %swap3A_594 = arith.constant 96 : index
        %swap3A_595 = tpu.vector_load %arg7[%swap3A_592, %swap3A_593, %swap3A_594] {strides = array<i32>} : memref<2x64x300xf32, #tpu.memory_space<vmem>>, vector<1x1x16xf32>,
        %swap3A_596 = vector.shape_cast %swap3A_595 : vector<1x1x16xf32> to vector<16xf32>
        %swap3A_597 = vector.shape_cast %get3A_476 : vector<16xf32> to vector<1x1x16xf32>
        tpu.vector_store %arg7[%swap3A_592, %swap3A_593, %swap3A_594], %swap3A_597 {strides = array<i32>} : memref<2x64x300xf32, #tpu.memory_space<vmem>>, vector<1x1x16xf32>,
        %swap3A_598 = arith.constant 0 : i32
        %swap3A_599 = arith.index_cast %swap3A_598 : i32 to index
        %swap3A_600 = arith.index_cast %add3A_434 : i32 to index
        %swap3A_601 = arith.constant 112 : index
        %swap3A_602 = tpu.vector_load %arg7[%swap3A_599, %swap3A_600, %swap3A_601] {strides = array<i32>} : memref<2x64x300xf32, #tpu.memory_space<vmem>>, vector<1x1x16xf32>,
        %swap3A_603 = vector.shape_cast %swap3A_602 : vector<1x1x16xf32> to vector<16xf32>
        %swap3A_604 = vector.shape_cast %get3A_482 : vector<16xf32> to vector<1x1x16xf32>
        tpu.vector_store %arg7[%swap3A_599, %swap3A_600, %swap3A_601], %swap3A_604 {strides = array<i32>} : memref<2x64x300xf32, #tpu.memory_space<vmem>>, vector<1x1x16xf32>,
        %swap3A_605 = arith.constant 0 : i32
        %swap3A_606 = arith.index_cast %swap3A_605 : i32 to index
        %swap3A_607 = arith.index_cast %add3A_434 : i32 to index
        %swap3A_608 = arith.constant 128 : index
        %swap3A_609 = tpu.vector_load %arg7[%swap3A_606, %swap3A_607, %swap3A_608] {strides = array<i32>} : memref<2x64x300xf32, #tpu.memory_space<vmem>>, vector<1x1x16xf32>,
        %swap3A_610 = vector.shape_cast %swap3A_609 : vector<1x1x16xf32> to vector<16xf32>
        %swap3A_611 = vector.shape_cast %get3A_488 : vector<16xf32> to vector<1x1x16xf32>
        tpu.vector_store %arg7[%swap3A_606, %swap3A_607, %swap3A_608], %swap3A_611 {strides = array<i32>} : memref<2x64x300xf32, #tpu.memory_space<vmem>>, vector<1x1x16xf32>,
        %swap3A_612 = arith.constant 0 : i32
        %swap3A_613 = arith.index_cast %swap3A_612 : i32 to index
        %swap3A_614 = arith.index_cast %add3A_434 : i32 to index
        %swap3A_615 = arith.constant 144 : index
        %swap3A_616 = tpu.vector_load %arg7[%swap3A_613, %swap3A_614, %swap3A_615] {strides = array<i32>} : memref<2x64x300xf32, #tpu.memory_space<vmem>>, vector<1x1x16xf32>,
        %swap3A_617 = vector.shape_cast %swap3A_616 : vector<1x1x16xf32> to vector<16xf32>
        %swap3A_618 = vector.shape_cast %get3A_494 : vector<16xf32> to vector<1x1x16xf32>
        tpu.vector_store %arg7[%swap3A_613, %swap3A_614, %swap3A_615], %swap3A_618 {strides = array<i32>} : memref<2x64x300xf32, #tpu.memory_space<vmem>>, vector<1x1x16xf32>,
        %swap3A_619 = arith.constant 0 : i32
        %swap3A_620 = arith.index_cast %swap3A_619 : i32 to index
        %swap3A_621 = arith.index_cast %add3A_434 : i32 to index
        %swap3A_622 = arith.constant 160 : index
        %swap3A_623 = tpu.vector_load %arg7[%swap3A_620, %swap3A_621, %swap3A_622] {strides = array<i32>} : memref<2x64x300xf32, #tpu.memory_space<vmem>>, vector<1x1x16xf32>,
        %swap3A_624 = vector.shape_cast %swap3A_623 : vector<1x1x16xf32> to vector<16xf32>
        %swap3A_625 = vector.shape_cast %get3A_500 : vector<16xf32> to vector<1x1x16xf32>
        tpu.vector_store %arg7[%swap3A_620, %swap3A_621, %swap3A_622], %swap3A_625 {strides = array<i32>} : memref<2x64x300xf32, #tpu.memory_space<vmem>>, vector<1x1x16xf32>,
        %swap3A_626 = arith.constant 0 : i32
        %swap3A_627 = arith.index_cast %swap3A_626 : i32 to index
        %swap3A_628 = arith.index_cast %add3A_434 : i32 to index
        %swap3A_629 = arith.constant 176 : index
        %swap3A_630 = tpu.vector_load %arg7[%swap3A_627, %swap3A_628, %swap3A_629] {strides = array<i32>} : memref<2x64x300xf32, #tpu.memory_space<vmem>>, vector<1x1x16xf32>,
        %swap3A_631 = vector.shape_cast %swap3A_630 : vector<1x1x16xf32> to vector<16xf32>
        %swap3A_632 = vector.shape_cast %get3A_506 : vector<16xf32> to vector<1x1x16xf32>
        tpu.vector_store %arg7[%swap3A_627, %swap3A_628, %swap3A_629], %swap3A_632 {strides = array<i32>} : memref<2x64x300xf32, #tpu.memory_space<vmem>>, vector<1x1x16xf32>,
        %swap3A_633 = arith.constant 0 : i32
        %swap3A_634 = arith.index_cast %swap3A_633 : i32 to index
        %swap3A_635 = arith.index_cast %add3A_434 : i32 to index
        %swap3A_636 = arith.constant 192 : index
        %swap3A_637 = tpu.vector_load %arg7[%swap3A_634, %swap3A_635, %swap3A_636] {strides = array<i32>} : memref<2x64x300xf32, #tpu.memory_space<vmem>>, vector<1x1x16xf32>,
        %swap3A_638 = vector.shape_cast %swap3A_637 : vector<1x1x16xf32> to vector<16xf32>
        %swap3A_639 = vector.shape_cast %get3A_512 : vector<16xf32> to vector<1x1x16xf32>
        tpu.vector_store %arg7[%swap3A_634, %swap3A_635, %swap3A_636], %swap3A_639 {strides = array<i32>} : memref<2x64x300xf32, #tpu.memory_space<vmem>>, vector<1x1x16xf32>,
        %swap3A_640 = arith.constant 0 : i32
        %swap3A_641 = arith.index_cast %swap3A_640 : i32 to index
        %swap3A_642 = arith.index_cast %add3A_434 : i32 to index
        %swap3A_643 = arith.constant 208 : index
        %swap3A_644 = tpu.vector_load %arg7[%swap3A_641, %swap3A_642, %swap3A_643] {strides = array<i32>} : memref<2x64x300xf32, #tpu.memory_space<vmem>>, vector<1x1x16xf32>,
        %swap3A_645 = vector.shape_cast %swap3A_644 : vector<1x1x16xf32> to vector<16xf32>
        %swap3A_646 = vector.shape_cast %get3A_518 : vector<16xf32> to vector<1x1x16xf32>
        tpu.vector_store %arg7[%swap3A_641, %swap3A_642, %swap3A_643], %swap3A_646 {strides = array<i32>} : memref<2x64x300xf32, #tpu.memory_space<vmem>>, vector<1x1x16xf32>,
        %swap3A_647 = arith.constant 0 : i32
        %swap3A_648 = arith.index_cast %swap3A_647 : i32 to index
        %swap3A_649 = arith.index_cast %add3A_434 : i32 to index
        %swap3A_650 = arith.constant 224 : index
        %swap3A_651 = tpu.vector_load %arg7[%swap3A_648, %swap3A_649, %swap3A_650] {strides = array<i32>} : memref<2x64x300xf32, #tpu.memory_space<vmem>>, vector<1x1x16xf32>,
        %swap3A_652 = vector.shape_cast %swap3A_651 : vector<1x1x16xf32> to vector<16xf32>
        %swap3A_653 = vector.shape_cast %get3A_524 : vector<16xf32> to vector<1x1x16xf32>
        tpu.vector_store %arg7[%swap3A_648, %swap3A_649, %swap3A_650], %swap3A_653 {strides = array<i32>} : memref<2x64x300xf32, #tpu.memory_space<vmem>>, vector<1x1x16xf32>,
        %swap3A_654 = arith.constant 0 : i32
        %swap3A_655 = arith.index_cast %swap3A_654 : i32 to index
        %swap3A_656 = arith.index_cast %add3A_434 : i32 to index
        %swap3A_657 = arith.constant 240 : index
        %swap3A_658 = tpu.vector_load %arg7[%swap3A_655, %swap3A_656, %swap3A_657] {strides = array<i32>} : memref<2x64x300xf32, #tpu.memory_space<vmem>>, vector<1x1x16xf32>,
        %swap3A_659 = vector.shape_cast %swap3A_658 : vector<1x1x16xf32> to vector<16xf32>
        %swap3A_660 = vector.shape_cast %get3A_530 : vector<16xf32> to vector<1x1x16xf32>
        tpu.vector_store %arg7[%swap3A_655, %swap3A_656, %swap3A_657], %swap3A_660 {strides = array<i32>} : memref<2x64x300xf32, #tpu.memory_space<vmem>>, vector<1x1x16xf32>,
        %swap3A_661 = arith.constant 0 : i32
        %swap3A_662 = arith.index_cast %swap3A_661 : i32 to index
        %swap3A_663 = arith.index_cast %add3A_434 : i32 to index
        %swap3A_664 = arith.constant 256 : index
        %swap3A_665 = tpu.vector_load %arg7[%swap3A_662, %swap3A_663, %swap3A_664] {strides = array<i32>} : memref<2x64x300xf32, #tpu.memory_space<vmem>>, vector<1x1x16xf32>,
        %swap3A_666 = vector.shape_cast %swap3A_665 : vector<1x1x16xf32> to vector<16xf32>
        %swap3A_667 = vector.shape_cast %get3A_536 : vector<16xf32> to vector<1x1x16xf32>
        tpu.vector_store %arg7[%swap3A_662, %swap3A_663, %swap3A_664], %swap3A_667 {strides = array<i32>} : memref<2x64x300xf32, #tpu.memory_space<vmem>>, vector<1x1x16xf32>,
        %swap3A_668 = arith.constant 0 : i32
        %swap3A_669 = arith.index_cast %swap3A_668 : i32 to index
        %swap3A_670 = arith.index_cast %add3A_434 : i32 to index
        %swap3A_671 = arith.constant 272 : index
        %swap3A_672 = tpu.vector_load %arg7[%swap3A_669, %swap3A_670, %swap3A_671] {strides = array<i32>} : memref<2x64x300xf32, #tpu.memory_space<vmem>>, vector<1x1x16xf32>,
        %swap3A_673 = vector.shape_cast %swap3A_672 : vector<1x1x16xf32> to vector<16xf32>
        %swap3A_674 = vector.shape_cast %get3A_542 : vector<16xf32> to vector<1x1x16xf32>
        tpu.vector_store %arg7[%swap3A_669, %swap3A_670, %swap3A_671], %swap3A_674 {strides = array<i32>} : memref<2x64x300xf32, #tpu.memory_space<vmem>>, vector<1x1x16xf32>,
        %swap3A_675 = arith.constant 0 : i32
        %swap3A_676 = arith.index_cast %swap3A_675 : i32 to index
        %swap3A_677 = arith.index_cast %add3A_434 : i32 to index
        %swap3A_678 = arith.constant 284 : index
        %swap3A_679 = tpu.vector_load %arg7[%swap3A_676, %swap3A_677, %swap3A_678] {strides = array<i32>} : memref<2x64x300xf32, #tpu.memory_space<vmem>>, vector<1x1x16xf32>,
        %swap3A_680 = vector.shape_cast %swap3A_679 : vector<1x1x16xf32> to vector<16xf32>
        %swap3A_681 = vector.shape_cast %get3A_548 : vector<16xf32> to vector<1x1x16xf32>
        tpu.vector_store %arg7[%swap3A_676, %swap3A_677, %swap3A_678], %swap3A_681 {strides = array<i32>} : memref<2x64x300xf32, #tpu.memory_space<vmem>>, vector<1x1x16xf32>,
      }
      %scan3A_99 = arith.constant 64 : i32
      %add3A_100 = arith.constant 2 : i32
      %add3A_101 = arith.addi %add3A_78, %add3A_100 : i32
      %lt3A = arith.constant 100 : i32
      %lt3A_102 = arith.cmpi slt, %add3A_101, %lt3A : i32
      %convert_element_type3A_103 = arith.extui %lt3A_102 : i1 to i32
      %cond3A_104 = arith.constant 0 : i32
      %cond3A_105 = arith.cmpi ne, %convert_element_type3A_103, %cond3A_104 : i32
      scf.if %cond3A_105 {
        %add3A_179 = arith.constant 2 : i32
        %add3A_180 = arith.addi %add3A_78, %add3A_179 : i32
        %dma_start3A_181 = arith.constant 0 : i32
        %dma_start3A_182 = arith.constant 0 : i32
        %dma_start3A_183 = arith.constant 0 : i32
        %dma_start3A_184 = arith.constant 0 : i32
        %dma_start3A_185 = tpu.memref_slice %arg6[%dma_start3A_181, %dma_start3A_183, %dma_start3A_184] : memref<2x64x384xf32, #tpu.memory_space<vmem>> -> memref<1x64x384xf32, #tpu.memory_space<vmem>>
        %dma_start3A_186 = tpu.memref_squeeze %dma_start3A_185 : memref<1x64x384xf32, #tpu.memory_space<vmem>> -> memref<64x384xf32, #tpu.memory_space<vmem>>
        %dma_start3A_187 = arith.constant 0 : i32
        %dma_start3A_188 = tpu.memref_slice %arg5[%add3A_180, %dma_start3A_187] : memref<100x64xi32, #tpu.memory_space<vmem>> -> memref<1x64xi32, #tpu.memory_space<vmem>>
        %dma_start3A_189 = tpu.memref_squeeze %dma_start3A_188 : memref<1x64xi32, #tpu.memory_space<vmem>> -> memref<64xi32, #tpu.memory_space<vmem>>
        %dma_start3A_190 = arith.constant 0 : i32
        %dma_start3A_191 = arith.constant 0 : i32
        %dma_start3A_192 = tpu.memref_slice %arg2[%dma_start3A_190, %dma_start3A_191] : memref<20000x384xf32, #tpu.memory_space<hbm>> -> memref<20000x384xf32, #tpu.memory_space<hbm>>
        %dma_start3A_193 = tpu.memref_slice %arg8[%dma_start3A_182] : memref<2x!tpu.dma_semaphore, #tpu.memory_space<semaphore_mem>> -> memref<1x!tpu.dma_semaphore, #tpu.memory_space<semaphore_mem>>
        %dma_start3A_194 = tpu.memref_squeeze %dma_start3A_193 : memref<1x!tpu.dma_semaphore, #tpu.memory_space<semaphore_mem>> -> memref<!tpu.dma_semaphore, #tpu.memory_space<semaphore_mem>>
        tpu.enqueue_indirect_dma source(%dma_start3A_192 : memref<20000x384xf32, #tpu.memory_space<hbm>>) target(%dma_start3A_186 : memref<64x384xf32, #tpu.memory_space<vmem>>) offsets(%dma_start3A_189 : memref<64xi32, #tpu.memory_space<vmem>>) semaphore(%dma_start3A_194 : memref<!tpu.dma_semaphore, #tpu.memory_space<semaphore_mem>>)
      } else {
      }
      %mul3A_106 = arith.constant 64 : i32
      %mul3A_107 = arith.muli %add3A_78, %mul3A_106 : i32
      %add3A_108 = arith.addi %mul3A_2, %mul3A_107 : i32
      %multiple_of3A_109 = tpu.assume_multiple %add3A_108, 8 : i32
      %dma_start3A_110 = arith.constant 0 : i32
      %dma_start3A_111 = arith.constant 0 : i32
      %dma_start3A_112 = arith.constant 0 : i32
      %dma_start3A_113 = arith.constant 0 : i32
      %dma_start3A_114 = tpu.memref_slice %arg7[%dma_start3A_110, %dma_start3A_112, %dma_start3A_113] : memref<2x64x300xf32, #tpu.memory_space<vmem>> -> memref<1x64x300xf32, #tpu.memory_space<vmem>>
      %dma_start3A_115 = tpu.memref_squeeze %dma_start3A_114 : memref<1x64x300xf32, #tpu.memory_space<vmem>> -> memref<64x300xf32, #tpu.memory_space<vmem>>
      %dma_start3A_116 = arith.constant 0 : i32
      %dma_start3A_117 = tpu.memref_slice %arg4[%multiple_of3A_109, %dma_start3A_116] : memref<204800x300xf32, #tpu.memory_space<hbm>> -> memref<64x300xf32, #tpu.memory_space<hbm>>
      %dma_start3A_118 = tpu.memref_slice %arg9[%dma_start3A_111] : memref<2x!tpu.dma_semaphore, #tpu.memory_space<semaphore_mem>> -> memref<1x!tpu.dma_semaphore, #tpu.memory_space<semaphore_mem>>
      %dma_start3A_119 = tpu.memref_squeeze %dma_start3A_118 : memref<1x!tpu.dma_semaphore, #tpu.memory_space<semaphore_mem>> -> memref<!tpu.dma_semaphore, #tpu.memory_space<semaphore_mem>>
      %dma_start3A_120 = arith.constant 0 : i32
      %dma_start3A_121 = tpu.memref_slice %arg4[%multiple_of3A_109, %dma_start3A_120] : memref<204800x300xf32, #tpu.memory_space<hbm>> -> memref<64x300xf32, #tpu.memory_space<hbm>>
      %dma_start3A_122 = arith.constant 0 : i32
      %dma_start3A_123 = arith.constant 0 : i32
      %dma_start3A_124 = tpu.memref_slice %arg7[%dma_start3A_110, %dma_start3A_122, %dma_start3A_123] : memref<2x64x300xf32, #tpu.memory_space<vmem>> -> memref<1x64x300xf32, #tpu.memory_space<vmem>>
      %dma_start3A_125 = tpu.memref_squeeze %dma_start3A_124 : memref<1x64x300xf32, #tpu.memory_space<vmem>> -> memref<64x300xf32, #tpu.memory_space<vmem>>
      tpu.enqueue_dma source(%dma_start3A_125 : memref<64x300xf32, #tpu.memory_space<vmem>>) target(%dma_start3A_121 : memref<64x300xf32, #tpu.memory_space<hbm>>) target_semaphore(%dma_start3A_119 : memref<!tpu.dma_semaphore, #tpu.memory_space<semaphore_mem>>)
      %add3A_126 = arith.constant 1 : i32
      %add3A_127 = arith.addi %add3A_76, %add3A_126 : i32
      %dma_wait3A_128 = arith.constant 1 : i32
      %dma_wait3A_129 = arith.constant 1 : i32
      %dma_wait3A_130 = arith.constant 0 : i32
      %dma_wait3A_131 = arith.constant 0 : i32
      %dma_wait3A_132 = tpu.memref_slice %arg6[%dma_wait3A_128, %dma_wait3A_130, %dma_wait3A_131] : memref<2x64x384xf32, #tpu.memory_space<vmem>> -> memref<1x64x384xf32, #tpu.memory_space<vmem>>
      %dma_wait3A_133 = tpu.memref_squeeze %dma_wait3A_132 : memref<1x64x384xf32, #tpu.memory_space<vmem>> -> memref<64x384xf32, #tpu.memory_space<vmem>>
      %dma_wait3A_134 = arith.constant 0 : i32
      %dma_wait3A_135 = tpu.memref_slice %arg5[%add3A_127, %dma_wait3A_134] : memref<100x64xi32, #tpu.memory_space<vmem>> -> memref<1x64xi32, #tpu.memory_space<vmem>>
      %dma_wait3A_136 = tpu.memref_squeeze %dma_wait3A_135 : memref<1x64xi32, #tpu.memory_space<vmem>> -> memref<64xi32, #tpu.memory_space<vmem>>
      %dma_wait3A_137 = arith.constant 0 : i32
      %dma_wait3A_138 = arith.constant 0 : i32
      %dma_wait3A_139 = tpu.memref_slice %arg2[%dma_wait3A_137, %dma_wait3A_138] : memref<20000x384xf32, #tpu.memory_space<hbm>> -> memref<20000x384xf32, #tpu.memory_space<hbm>>
      %dma_wait3A_140 = tpu.memref_slice %arg8[%dma_wait3A_129] : memref<2x!tpu.dma_semaphore, #tpu.memory_space<semaphore_mem>> -> memref<1x!tpu.dma_semaphore, #tpu.memory_space<semaphore_mem>>
      %dma_wait3A_141 = tpu.memref_squeeze %dma_wait3A_140 : memref<1x!tpu.dma_semaphore, #tpu.memory_space<semaphore_mem>> -> memref<!tpu.dma_semaphore, #tpu.memory_space<semaphore_mem>>
      tpu.wait_indirect_dma semaphore(%dma_wait3A_141 : memref<!tpu.dma_semaphore, #tpu.memory_space<semaphore_mem>>) src(%dma_wait3A_139 : memref<20000x384xf32, #tpu.memory_space<hbm>>) dst(%dma_wait3A_133 : memref<64x384xf32, #tpu.memory_space<vmem>>)
      %ge3A_142 = arith.constant 2 : i32
      %ge3A_143 = arith.cmpi sge, %add3A_127, %ge3A_142 : i32
      %convert_element_type3A_144 = arith.extui %ge3A_143 : i1 to i32
      %cond3A_145 = arith.constant 0 : i32
      %cond3A_146 = arith.cmpi ne, %convert_element_type3A_144, %cond3A_145 : i32
      scf.if %cond3A_146 {
        %mul3A_179 = arith.constant 64 : i32
        %mul3A_180 = arith.muli %add3A_127, %mul3A_179 : i32
        %add3A_181 = arith.addi %mul3A_2, %mul3A_180 : i32
        %multiple_of3A_182 = tpu.assume_multiple %add3A_181, 8 : i32
        %dma_wait3A_183 = arith.constant 1 : i32
        %dma_wait3A_184 = arith.constant 1 : i32
        %dma_wait3A_185 = arith.constant 0 : i32
        %dma_wait3A_186 = arith.constant 0 : i32
        %dma_wait3A_187 = tpu.memref_slice %arg7[%dma_wait3A_183, %dma_wait3A_185, %dma_wait3A_186] : memref<2x64x300xf32, #tpu.memory_space<vmem>> -> memref<1x64x300xf32, #tpu.memory_space<vmem>>
        %dma_wait3A_188 = tpu.memref_squeeze %dma_wait3A_187 : memref<1x64x300xf32, #tpu.memory_space<vmem>> -> memref<64x300xf32, #tpu.memory_space<vmem>>
        %dma_wait3A_189 = arith.constant 0 : i32
        %dma_wait3A_190 = tpu.memref_slice %arg4[%multiple_of3A_182, %dma_wait3A_189] : memref<204800x300xf32, #tpu.memory_space<hbm>> -> memref<64x300xf32, #tpu.memory_space<hbm>>
        %dma_wait3A_191 = tpu.memref_slice %arg9[%dma_wait3A_184] : memref<2x!tpu.dma_semaphore, #tpu.memory_space<semaphore_mem>> -> memref<1x!tpu.dma_semaphore, #tpu.memory_space<semaphore_mem>>
        %dma_wait3A_192 = tpu.memref_squeeze %dma_wait3A_191 : memref<1x!tpu.dma_semaphore, #tpu.memory_space<semaphore_mem>> -> memref<!tpu.dma_semaphore, #tpu.memory_space<semaphore_mem>>
        %dma_wait3A_193 = arith.constant 0 : i32
        %dma_wait3A_194 = tpu.memref_slice %arg4[%multiple_of3A_182, %dma_wait3A_193] : memref<204800x300xf32, #tpu.memory_space<hbm>> -> memref<64x300xf32, #tpu.memory_space<hbm>>
        %dma_wait3A_195 = arith.constant 0 : i32
        %dma_wait3A_196 = arith.constant 0 : i32
        %dma_wait3A_197 = tpu.memref_slice %arg7[%dma_wait3A_183, %dma_wait3A_195, %dma_wait3A_196] : memref<2x64x300xf32, #tpu.memory_space<vmem>> -> memref<1x64x300xf32, #tpu.memory_space<vmem>>
        %dma_wait3A_198 = tpu.memref_squeeze %dma_wait3A_197 : memref<1x64x300xf32, #tpu.memory_space<vmem>> -> memref<64x300xf32, #tpu.memory_space<vmem>>
        tpu.wait_dma2 semaphore(%dma_wait3A_192 : memref<!tpu.dma_semaphore, #tpu.memory_space<semaphore_mem>>) src(%dma_wait3A_198 : memref<64x300xf32, #tpu.memory_space<vmem>>) dst(%dma_wait3A_194 : memref<64x300xf32, #tpu.memory_space<hbm>>)
      } else {
      }
      %scan3A_147 = arith.constant 0 : i32
      %scan3A_148 = arith.constant 64 : i32
      %scan3A_149 = arith.addi %scan3A_147, %scan3A_148 : i32
      %scan3A_150 = arith.constant 2 : i32
      scf.for %scan3A_179 = %scan3A_147 to %scan3A_149 step %scan3A_150  : i32 {
        %mul3A_180 = arith.constant 1 : i32
        %mul3A_181 = arith.muli %scan3A_179, %mul3A_180 : i32
        %add3A_182 = arith.constant 0 : i32
        %add3A_183 = arith.addi %add3A_182, %mul3A_181 : i32
        %get3A = arith.constant 1 : i32
        %get3A_184 = arith.index_cast %get3A : i32 to index
        %get3A_185 = arith.index_cast %add3A_183 : i32 to index
        %get3A_186 = arith.constant 0 : index
        %get3A_187 = tpu.vector_load %arg6[%get3A_184, %get3A_185, %get3A_186] {strides = array<i32>} : memref<2x64x384xf32, #tpu.memory_space<vmem>>, vector<1x1x16xf32>,
        %get3A_188 = vector.shape_cast %get3A_187 : vector<1x1x16xf32> to vector<16xf32>
        %get3A_189 = arith.constant 1 : i32
        %get3A_190 = arith.index_cast %get3A_189 : i32 to index
        %get3A_191 = arith.index_cast %add3A_183 : i32 to index
        %get3A_192 = arith.constant 16 : index
        %get3A_193 = tpu.vector_load %arg6[%get3A_190, %get3A_191, %get3A_192] {strides = array<i32>} : memref<2x64x384xf32, #tpu.memory_space<vmem>>, vector<1x1x16xf32>,
        %get3A_194 = vector.shape_cast %get3A_193 : vector<1x1x16xf32> to vector<16xf32>
        %get3A_195 = arith.constant 1 : i32
        %get3A_196 = arith.index_cast %get3A_195 : i32 to index
        %get3A_197 = arith.index_cast %add3A_183 : i32 to index
        %get3A_198 = arith.constant 32 : index
        %get3A_199 = tpu.vector_load %arg6[%get3A_196, %get3A_197, %get3A_198] {strides = array<i32>} : memref<2x64x384xf32, #tpu.memory_space<vmem>>, vector<1x1x16xf32>,
        %get3A_200 = vector.shape_cast %get3A_199 : vector<1x1x16xf32> to vector<16xf32>
        %get3A_201 = arith.constant 1 : i32
        %get3A_202 = arith.index_cast %get3A_201 : i32 to index
        %get3A_203 = arith.index_cast %add3A_183 : i32 to index
        %get3A_204 = arith.constant 48 : index
        %get3A_205 = tpu.vector_load %arg6[%get3A_202, %get3A_203, %get3A_204] {strides = array<i32>} : memref<2x64x384xf32, #tpu.memory_space<vmem>>, vector<1x1x16xf32>,
        %get3A_206 = vector.shape_cast %get3A_205 : vector<1x1x16xf32> to vector<16xf32>
        %get3A_207 = arith.constant 1 : i32
        %get3A_208 = arith.index_cast %get3A_207 : i32 to index
        %get3A_209 = arith.index_cast %add3A_183 : i32 to index
        %get3A_210 = arith.constant 64 : index
        %get3A_211 = tpu.vector_load %arg6[%get3A_208, %get3A_209, %get3A_210] {strides = array<i32>} : memref<2x64x384xf32, #tpu.memory_space<vmem>>, vector<1x1x16xf32>,
        %get3A_212 = vector.shape_cast %get3A_211 : vector<1x1x16xf32> to vector<16xf32>
        %get3A_213 = arith.constant 1 : i32
        %get3A_214 = arith.index_cast %get3A_213 : i32 to index
        %get3A_215 = arith.index_cast %add3A_183 : i32 to index
        %get3A_216 = arith.constant 80 : index
        %get3A_217 = tpu.vector_load %arg6[%get3A_214, %get3A_215, %get3A_216] {strides = array<i32>} : memref<2x64x384xf32, #tpu.memory_space<vmem>>, vector<1x1x16xf32>,
        %get3A_218 = vector.shape_cast %get3A_217 : vector<1x1x16xf32> to vector<16xf32>
        %get3A_219 = arith.constant 1 : i32
        %get3A_220 = arith.index_cast %get3A_219 : i32 to index
        %get3A_221 = arith.index_cast %add3A_183 : i32 to index
        %get3A_222 = arith.constant 96 : index
        %get3A_223 = tpu.vector_load %arg6[%get3A_220, %get3A_221, %get3A_222] {strides = array<i32>} : memref<2x64x384xf32, #tpu.memory_space<vmem>>, vector<1x1x16xf32>,
        %get3A_224 = vector.shape_cast %get3A_223 : vector<1x1x16xf32> to vector<16xf32>
        %get3A_225 = arith.constant 1 : i32
        %get3A_226 = arith.index_cast %get3A_225 : i32 to index
        %get3A_227 = arith.index_cast %add3A_183 : i32 to index
        %get3A_228 = arith.constant 112 : index
        %get3A_229 = tpu.vector_load %arg6[%get3A_226, %get3A_227, %get3A_228] {strides = array<i32>} : memref<2x64x384xf32, #tpu.memory_space<vmem>>, vector<1x1x16xf32>,
        %get3A_230 = vector.shape_cast %get3A_229 : vector<1x1x16xf32> to vector<16xf32>
        %get3A_231 = arith.constant 1 : i32
        %get3A_232 = arith.index_cast %get3A_231 : i32 to index
        %get3A_233 = arith.index_cast %add3A_183 : i32 to index
        %get3A_234 = arith.constant 128 : index
        %get3A_235 = tpu.vector_load %arg6[%get3A_232, %get3A_233, %get3A_234] {strides = array<i32>} : memref<2x64x384xf32, #tpu.memory_space<vmem>>, vector<1x1x16xf32>,
        %get3A_236 = vector.shape_cast %get3A_235 : vector<1x1x16xf32> to vector<16xf32>
        %get3A_237 = arith.constant 1 : i32
        %get3A_238 = arith.index_cast %get3A_237 : i32 to index
        %get3A_239 = arith.index_cast %add3A_183 : i32 to index
        %get3A_240 = arith.constant 144 : index
        %get3A_241 = tpu.vector_load %arg6[%get3A_238, %get3A_239, %get3A_240] {strides = array<i32>} : memref<2x64x384xf32, #tpu.memory_space<vmem>>, vector<1x1x16xf32>,
        %get3A_242 = vector.shape_cast %get3A_241 : vector<1x1x16xf32> to vector<16xf32>
        %get3A_243 = arith.constant 1 : i32
        %get3A_244 = arith.index_cast %get3A_243 : i32 to index
        %get3A_245 = arith.index_cast %add3A_183 : i32 to index
        %get3A_246 = arith.constant 160 : index
        %get3A_247 = tpu.vector_load %arg6[%get3A_244, %get3A_245, %get3A_246] {strides = array<i32>} : memref<2x64x384xf32, #tpu.memory_space<vmem>>, vector<1x1x16xf32>,
        %get3A_248 = vector.shape_cast %get3A_247 : vector<1x1x16xf32> to vector<16xf32>
        %get3A_249 = arith.constant 1 : i32
        %get3A_250 = arith.index_cast %get3A_249 : i32 to index
        %get3A_251 = arith.index_cast %add3A_183 : i32 to index
        %get3A_252 = arith.constant 176 : index
        %get3A_253 = tpu.vector_load %arg6[%get3A_250, %get3A_251, %get3A_252] {strides = array<i32>} : memref<2x64x384xf32, #tpu.memory_space<vmem>>, vector<1x1x16xf32>,
        %get3A_254 = vector.shape_cast %get3A_253 : vector<1x1x16xf32> to vector<16xf32>
        %get3A_255 = arith.constant 1 : i32
        %get3A_256 = arith.index_cast %get3A_255 : i32 to index
        %get3A_257 = arith.index_cast %add3A_183 : i32 to index
        %get3A_258 = arith.constant 192 : index
        %get3A_259 = tpu.vector_load %arg6[%get3A_256, %get3A_257, %get3A_258] {strides = array<i32>} : memref<2x64x384xf32, #tpu.memory_space<vmem>>, vector<1x1x16xf32>,
        %get3A_260 = vector.shape_cast %get3A_259 : vector<1x1x16xf32> to vector<16xf32>
        %get3A_261 = arith.constant 1 : i32
        %get3A_262 = arith.index_cast %get3A_261 : i32 to index
        %get3A_263 = arith.index_cast %add3A_183 : i32 to index
        %get3A_264 = arith.constant 208 : index
        %get3A_265 = tpu.vector_load %arg6[%get3A_262, %get3A_263, %get3A_264] {strides = array<i32>} : memref<2x64x384xf32, #tpu.memory_space<vmem>>, vector<1x1x16xf32>,
        %get3A_266 = vector.shape_cast %get3A_265 : vector<1x1x16xf32> to vector<16xf32>
        %get3A_267 = arith.constant 1 : i32
        %get3A_268 = arith.index_cast %get3A_267 : i32 to index
        %get3A_269 = arith.index_cast %add3A_183 : i32 to index
        %get3A_270 = arith.constant 224 : index
        %get3A_271 = tpu.vector_load %arg6[%get3A_268, %get3A_269, %get3A_270] {strides = array<i32>} : memref<2x64x384xf32, #tpu.memory_space<vmem>>, vector<1x1x16xf32>,
        %get3A_272 = vector.shape_cast %get3A_271 : vector<1x1x16xf32> to vector<16xf32>
        %get3A_273 = arith.constant 1 : i32
        %get3A_274 = arith.index_cast %get3A_273 : i32 to index
        %get3A_275 = arith.index_cast %add3A_183 : i32 to index
        %get3A_276 = arith.constant 240 : index
        %get3A_277 = tpu.vector_load %arg6[%get3A_274, %get3A_275, %get3A_276] {strides = array<i32>} : memref<2x64x384xf32, #tpu.memory_space<vmem>>, vector<1x1x16xf32>,
        %get3A_278 = vector.shape_cast %get3A_277 : vector<1x1x16xf32> to vector<16xf32>
        %get3A_279 = arith.constant 1 : i32
        %get3A_280 = arith.index_cast %get3A_279 : i32 to index
        %get3A_281 = arith.index_cast %add3A_183 : i32 to index
        %get3A_282 = arith.constant 256 : index
        %get3A_283 = tpu.vector_load %arg6[%get3A_280, %get3A_281, %get3A_282] {strides = array<i32>} : memref<2x64x384xf32, #tpu.memory_space<vmem>>, vector<1x1x16xf32>,
        %get3A_284 = vector.shape_cast %get3A_283 : vector<1x1x16xf32> to vector<16xf32>
        %get3A_285 = arith.constant 1 : i32
        %get3A_286 = arith.index_cast %get3A_285 : i32 to index
        %get3A_287 = arith.index_cast %add3A_183 : i32 to index
        %get3A_288 = arith.constant 272 : index
        %get3A_289 = tpu.vector_load %arg6[%get3A_286, %get3A_287, %get3A_288] {strides = array<i32>} : memref<2x64x384xf32, #tpu.memory_space<vmem>>, vector<1x1x16xf32>,
        %get3A_290 = vector.shape_cast %get3A_289 : vector<1x1x16xf32> to vector<16xf32>
        %get3A_291 = arith.constant 1 : i32
        %get3A_292 = arith.index_cast %get3A_291 : i32 to index
        %get3A_293 = arith.index_cast %add3A_183 : i32 to index
        %get3A_294 = arith.constant 284 : index
        %get3A_295 = tpu.vector_load %arg6[%get3A_292, %get3A_293, %get3A_294] {strides = array<i32>} : memref<2x64x384xf32, #tpu.memory_space<vmem>>, vector<1x1x16xf32>,
        %get3A_296 = vector.shape_cast %get3A_295 : vector<1x1x16xf32> to vector<16xf32>
        %swap3A = arith.constant 1 : i32
        %swap3A_297 = arith.index_cast %swap3A : i32 to index
        %swap3A_298 = arith.index_cast %add3A_183 : i32 to index
        %swap3A_299 = arith.constant 0 : index
        %swap3A_300 = tpu.vector_load %arg7[%swap3A_297, %swap3A_298, %swap3A_299] {strides = array<i32>} : memref<2x64x300xf32, #tpu.memory_space<vmem>>, vector<1x1x16xf32>,
        %swap3A_301 = vector.shape_cast %swap3A_300 : vector<1x1x16xf32> to vector<16xf32>
        %swap3A_302 = vector.shape_cast %get3A_188 : vector<16xf32> to vector<1x1x16xf32>
        tpu.vector_store %arg7[%swap3A_297, %swap3A_298, %swap3A_299], %swap3A_302 {strides = array<i32>} : memref<2x64x300xf32, #tpu.memory_space<vmem>>, vector<1x1x16xf32>,
        %swap3A_303 = arith.constant 1 : i32
        %swap3A_304 = arith.index_cast %swap3A_303 : i32 to index
        %swap3A_305 = arith.index_cast %add3A_183 : i32 to index
        %swap3A_306 = arith.constant 16 : index
        %swap3A_307 = tpu.vector_load %arg7[%swap3A_304, %swap3A_305, %swap3A_306] {strides = array<i32>} : memref<2x64x300xf32, #tpu.memory_space<vmem>>, vector<1x1x16xf32>,
        %swap3A_308 = vector.shape_cast %swap3A_307 : vector<1x1x16xf32> to vector<16xf32>
        %swap3A_309 = vector.shape_cast %get3A_194 : vector<16xf32> to vector<1x1x16xf32>
        tpu.vector_store %arg7[%swap3A_304, %swap3A_305, %swap3A_306], %swap3A_309 {strides = array<i32>} : memref<2x64x300xf32, #tpu.memory_space<vmem>>, vector<1x1x16xf32>,
        %swap3A_310 = arith.constant 1 : i32
        %swap3A_311 = arith.index_cast %swap3A_310 : i32 to index
        %swap3A_312 = arith.index_cast %add3A_183 : i32 to index
        %swap3A_313 = arith.constant 32 : index
        %swap3A_314 = tpu.vector_load %arg7[%swap3A_311, %swap3A_312, %swap3A_313] {strides = array<i32>} : memref<2x64x300xf32, #tpu.memory_space<vmem>>, vector<1x1x16xf32>,
        %swap3A_315 = vector.shape_cast %swap3A_314 : vector<1x1x16xf32> to vector<16xf32>
        %swap3A_316 = vector.shape_cast %get3A_200 : vector<16xf32> to vector<1x1x16xf32>
        tpu.vector_store %arg7[%swap3A_311, %swap3A_312, %swap3A_313], %swap3A_316 {strides = array<i32>} : memref<2x64x300xf32, #tpu.memory_space<vmem>>, vector<1x1x16xf32>,
        %swap3A_317 = arith.constant 1 : i32
        %swap3A_318 = arith.index_cast %swap3A_317 : i32 to index
        %swap3A_319 = arith.index_cast %add3A_183 : i32 to index
        %swap3A_320 = arith.constant 48 : index
        %swap3A_321 = tpu.vector_load %arg7[%swap3A_318, %swap3A_319, %swap3A_320] {strides = array<i32>} : memref<2x64x300xf32, #tpu.memory_space<vmem>>, vector<1x1x16xf32>,
        %swap3A_322 = vector.shape_cast %swap3A_321 : vector<1x1x16xf32> to vector<16xf32>
        %swap3A_323 = vector.shape_cast %get3A_206 : vector<16xf32> to vector<1x1x16xf32>
        tpu.vector_store %arg7[%swap3A_318, %swap3A_319, %swap3A_320], %swap3A_323 {strides = array<i32>} : memref<2x64x300xf32, #tpu.memory_space<vmem>>, vector<1x1x16xf32>,
        %swap3A_324 = arith.constant 1 : i32
        %swap3A_325 = arith.index_cast %swap3A_324 : i32 to index
        %swap3A_326 = arith.index_cast %add3A_183 : i32 to index
        %swap3A_327 = arith.constant 64 : index
        %swap3A_328 = tpu.vector_load %arg7[%swap3A_325, %swap3A_326, %swap3A_327] {strides = array<i32>} : memref<2x64x300xf32, #tpu.memory_space<vmem>>, vector<1x1x16xf32>,
        %swap3A_329 = vector.shape_cast %swap3A_328 : vector<1x1x16xf32> to vector<16xf32>
        %swap3A_330 = vector.shape_cast %get3A_212 : vector<16xf32> to vector<1x1x16xf32>
        tpu.vector_store %arg7[%swap3A_325, %swap3A_326, %swap3A_327], %swap3A_330 {strides = array<i32>} : memref<2x64x300xf32, #tpu.memory_space<vmem>>, vector<1x1x16xf32>,
        %swap3A_331 = arith.constant 1 : i32
        %swap3A_332 = arith.index_cast %swap3A_331 : i32 to index
        %swap3A_333 = arith.index_cast %add3A_183 : i32 to index
        %swap3A_334 = arith.constant 80 : index
        %swap3A_335 = tpu.vector_load %arg7[%swap3A_332, %swap3A_333, %swap3A_334] {strides = array<i32>} : memref<2x64x300xf32, #tpu.memory_space<vmem>>, vector<1x1x16xf32>,
        %swap3A_336 = vector.shape_cast %swap3A_335 : vector<1x1x16xf32> to vector<16xf32>
        %swap3A_337 = vector.shape_cast %get3A_218 : vector<16xf32> to vector<1x1x16xf32>
        tpu.vector_store %arg7[%swap3A_332, %swap3A_333, %swap3A_334], %swap3A_337 {strides = array<i32>} : memref<2x64x300xf32, #tpu.memory_space<vmem>>, vector<1x1x16xf32>,
        %swap3A_338 = arith.constant 1 : i32
        %swap3A_339 = arith.index_cast %swap3A_338 : i32 to index
        %swap3A_340 = arith.index_cast %add3A_183 : i32 to index
        %swap3A_341 = arith.constant 96 : index
        %swap3A_342 = tpu.vector_load %arg7[%swap3A_339, %swap3A_340, %swap3A_341] {strides = array<i32>} : memref<2x64x300xf32, #tpu.memory_space<vmem>>, vector<1x1x16xf32>,
        %swap3A_343 = vector.shape_cast %swap3A_342 : vector<1x1x16xf32> to vector<16xf32>
        %swap3A_344 = vector.shape_cast %get3A_224 : vector<16xf32> to vector<1x1x16xf32>
        tpu.vector_store %arg7[%swap3A_339, %swap3A_340, %swap3A_341], %swap3A_344 {strides = array<i32>} : memref<2x64x300xf32, #tpu.memory_space<vmem>>, vector<1x1x16xf32>,
        %swap3A_345 = arith.constant 1 : i32
        %swap3A_346 = arith.index_cast %swap3A_345 : i32 to index
        %swap3A_347 = arith.index_cast %add3A_183 : i32 to index
        %swap3A_348 = arith.constant 112 : index
        %swap3A_349 = tpu.vector_load %arg7[%swap3A_346, %swap3A_347, %swap3A_348] {strides = array<i32>} : memref<2x64x300xf32, #tpu.memory_space<vmem>>, vector<1x1x16xf32>,
        %swap3A_350 = vector.shape_cast %swap3A_349 : vector<1x1x16xf32> to vector<16xf32>
        %swap3A_351 = vector.shape_cast %get3A_230 : vector<16xf32> to vector<1x1x16xf32>
        tpu.vector_store %arg7[%swap3A_346, %swap3A_347, %swap3A_348], %swap3A_351 {strides = array<i32>} : memref<2x64x300xf32, #tpu.memory_space<vmem>>, vector<1x1x16xf32>,
        %swap3A_352 = arith.constant 1 : i32
        %swap3A_353 = arith.index_cast %swap3A_352 : i32 to index
        %swap3A_354 = arith.index_cast %add3A_183 : i32 to index
        %swap3A_355 = arith.constant 128 : index
        %swap3A_356 = tpu.vector_load %arg7[%swap3A_353, %swap3A_354, %swap3A_355] {strides = array<i32>} : memref<2x64x300xf32, #tpu.memory_space<vmem>>, vector<1x1x16xf32>,
        %swap3A_357 = vector.shape_cast %swap3A_356 : vector<1x1x16xf32> to vector<16xf32>
        %swap3A_358 = vector.shape_cast %get3A_236 : vector<16xf32> to vector<1x1x16xf32>
        tpu.vector_store %arg7[%swap3A_353, %swap3A_354, %swap3A_355], %swap3A_358 {strides = array<i32>} : memref<2x64x300xf32, #tpu.memory_space<vmem>>, vector<1x1x16xf32>,
        %swap3A_359 = arith.constant 1 : i32
        %swap3A_360 = arith.index_cast %swap3A_359 : i32 to index
        %swap3A_361 = arith.index_cast %add3A_183 : i32 to index
        %swap3A_362 = arith.constant 144 : index
        %swap3A_363 = tpu.vector_load %arg7[%swap3A_360, %swap3A_361, %swap3A_362] {strides = array<i32>} : memref<2x64x300xf32, #tpu.memory_space<vmem>>, vector<1x1x16xf32>,
        %swap3A_364 = vector.shape_cast %swap3A_363 : vector<1x1x16xf32> to vector<16xf32>
        %swap3A_365 = vector.shape_cast %get3A_242 : vector<16xf32> to vector<1x1x16xf32>
        tpu.vector_store %arg7[%swap3A_360, %swap3A_361, %swap3A_362], %swap3A_365 {strides = array<i32>} : memref<2x64x300xf32, #tpu.memory_space<vmem>>, vector<1x1x16xf32>,
        %swap3A_366 = arith.constant 1 : i32
        %swap3A_367 = arith.index_cast %swap3A_366 : i32 to index
        %swap3A_368 = arith.index_cast %add3A_183 : i32 to index
        %swap3A_369 = arith.constant 160 : index
        %swap3A_370 = tpu.vector_load %arg7[%swap3A_367, %swap3A_368, %swap3A_369] {strides = array<i32>} : memref<2x64x300xf32, #tpu.memory_space<vmem>>, vector<1x1x16xf32>,
        %swap3A_371 = vector.shape_cast %swap3A_370 : vector<1x1x16xf32> to vector<16xf32>
        %swap3A_372 = vector.shape_cast %get3A_248 : vector<16xf32> to vector<1x1x16xf32>
        tpu.vector_store %arg7[%swap3A_367, %swap3A_368, %swap3A_369], %swap3A_372 {strides = array<i32>} : memref<2x64x300xf32, #tpu.memory_space<vmem>>, vector<1x1x16xf32>,
        %swap3A_373 = arith.constant 1 : i32
        %swap3A_374 = arith.index_cast %swap3A_373 : i32 to index
        %swap3A_375 = arith.index_cast %add3A_183 : i32 to index
        %swap3A_376 = arith.constant 176 : index
        %swap3A_377 = tpu.vector_load %arg7[%swap3A_374, %swap3A_375, %swap3A_376] {strides = array<i32>} : memref<2x64x300xf32, #tpu.memory_space<vmem>>, vector<1x1x16xf32>,
        %swap3A_378 = vector.shape_cast %swap3A_377 : vector<1x1x16xf32> to vector<16xf32>
        %swap3A_379 = vector.shape_cast %get3A_254 : vector<16xf32> to vector<1x1x16xf32>
        tpu.vector_store %arg7[%swap3A_374, %swap3A_375, %swap3A_376], %swap3A_379 {strides = array<i32>} : memref<2x64x300xf32, #tpu.memory_space<vmem>>, vector<1x1x16xf32>,
        %swap3A_380 = arith.constant 1 : i32
        %swap3A_381 = arith.index_cast %swap3A_380 : i32 to index
        %swap3A_382 = arith.index_cast %add3A_183 : i32 to index
        %swap3A_383 = arith.constant 192 : index
        %swap3A_384 = tpu.vector_load %arg7[%swap3A_381, %swap3A_382, %swap3A_383] {strides = array<i32>} : memref<2x64x300xf32, #tpu.memory_space<vmem>>, vector<1x1x16xf32>,
        %swap3A_385 = vector.shape_cast %swap3A_384 : vector<1x1x16xf32> to vector<16xf32>
        %swap3A_386 = vector.shape_cast %get3A_260 : vector<16xf32> to vector<1x1x16xf32>
        tpu.vector_store %arg7[%swap3A_381, %swap3A_382, %swap3A_383], %swap3A_386 {strides = array<i32>} : memref<2x64x300xf32, #tpu.memory_space<vmem>>, vector<1x1x16xf32>,
        %swap3A_387 = arith.constant 1 : i32
        %swap3A_388 = arith.index_cast %swap3A_387 : i32 to index
        %swap3A_389 = arith.index_cast %add3A_183 : i32 to index
        %swap3A_390 = arith.constant 208 : index
        %swap3A_391 = tpu.vector_load %arg7[%swap3A_388, %swap3A_389, %swap3A_390] {strides = array<i32>} : memref<2x64x300xf32, #tpu.memory_space<vmem>>, vector<1x1x16xf32>,
        %swap3A_392 = vector.shape_cast %swap3A_391 : vector<1x1x16xf32> to vector<16xf32>
        %swap3A_393 = vector.shape_cast %get3A_266 : vector<16xf32> to vector<1x1x16xf32>
        tpu.vector_store %arg7[%swap3A_388, %swap3A_389, %swap3A_390], %swap3A_393 {strides = array<i32>} : memref<2x64x300xf32, #tpu.memory_space<vmem>>, vector<1x1x16xf32>,
        %swap3A_394 = arith.constant 1 : i32
        %swap3A_395 = arith.index_cast %swap3A_394 : i32 to index
        %swap3A_396 = arith.index_cast %add3A_183 : i32 to index
        %swap3A_397 = arith.constant 224 : index
        %swap3A_398 = tpu.vector_load %arg7[%swap3A_395, %swap3A_396, %swap3A_397] {strides = array<i32>} : memref<2x64x300xf32, #tpu.memory_space<vmem>>, vector<1x1x16xf32>,
        %swap3A_399 = vector.shape_cast %swap3A_398 : vector<1x1x16xf32> to vector<16xf32>
        %swap3A_400 = vector.shape_cast %get3A_272 : vector<16xf32> to vector<1x1x16xf32>
        tpu.vector_store %arg7[%swap3A_395, %swap3A_396, %swap3A_397], %swap3A_400 {strides = array<i32>} : memref<2x64x300xf32, #tpu.memory_space<vmem>>, vector<1x1x16xf32>,
        %swap3A_401 = arith.constant 1 : i32
        %swap3A_402 = arith.index_cast %swap3A_401 : i32 to index
        %swap3A_403 = arith.index_cast %add3A_183 : i32 to index
        %swap3A_404 = arith.constant 240 : index
        %swap3A_405 = tpu.vector_load %arg7[%swap3A_402, %swap3A_403, %swap3A_404] {strides = array<i32>} : memref<2x64x300xf32, #tpu.memory_space<vmem>>, vector<1x1x16xf32>,
        %swap3A_406 = vector.shape_cast %swap3A_405 : vector<1x1x16xf32> to vector<16xf32>
        %swap3A_407 = vector.shape_cast %get3A_278 : vector<16xf32> to vector<1x1x16xf32>
        tpu.vector_store %arg7[%swap3A_402, %swap3A_403, %swap3A_404], %swap3A_407 {strides = array<i32>} : memref<2x64x300xf32, #tpu.memory_space<vmem>>, vector<1x1x16xf32>,
        %swap3A_408 = arith.constant 1 : i32
        %swap3A_409 = arith.index_cast %swap3A_408 : i32 to index
        %swap3A_410 = arith.index_cast %add3A_183 : i32 to index
        %swap3A_411 = arith.constant 256 : index
        %swap3A_412 = tpu.vector_load %arg7[%swap3A_409, %swap3A_410, %swap3A_411] {strides = array<i32>} : memref<2x64x300xf32, #tpu.memory_space<vmem>>, vector<1x1x16xf32>,
        %swap3A_413 = vector.shape_cast %swap3A_412 : vector<1x1x16xf32> to vector<16xf32>
        %swap3A_414 = vector.shape_cast %get3A_284 : vector<16xf32> to vector<1x1x16xf32>
        tpu.vector_store %arg7[%swap3A_409, %swap3A_410, %swap3A_411], %swap3A_414 {strides = array<i32>} : memref<2x64x300xf32, #tpu.memory_space<vmem>>, vector<1x1x16xf32>,
        %swap3A_415 = arith.constant 1 : i32
        %swap3A_416 = arith.index_cast %swap3A_415 : i32 to index
        %swap3A_417 = arith.index_cast %add3A_183 : i32 to index
        %swap3A_418 = arith.constant 272 : index
        %swap3A_419 = tpu.vector_load %arg7[%swap3A_416, %swap3A_417, %swap3A_418] {strides = array<i32>} : memref<2x64x300xf32, #tpu.memory_space<vmem>>, vector<1x1x16xf32>,
        %swap3A_420 = vector.shape_cast %swap3A_419 : vector<1x1x16xf32> to vector<16xf32>
        %swap3A_421 = vector.shape_cast %get3A_290 : vector<16xf32> to vector<1x1x16xf32>
        tpu.vector_store %arg7[%swap3A_416, %swap3A_417, %swap3A_418], %swap3A_421 {strides = array<i32>} : memref<2x64x300xf32, #tpu.memory_space<vmem>>, vector<1x1x16xf32>,
        %swap3A_422 = arith.constant 1 : i32
        %swap3A_423 = arith.index_cast %swap3A_422 : i32 to index
        %swap3A_424 = arith.index_cast %add3A_183 : i32 to index
        %swap3A_425 = arith.constant 284 : index
        %swap3A_426 = tpu.vector_load %arg7[%swap3A_423, %swap3A_424, %swap3A_425] {strides = array<i32>} : memref<2x64x300xf32, #tpu.memory_space<vmem>>, vector<1x1x16xf32>,
        %swap3A_427 = vector.shape_cast %swap3A_426 : vector<1x1x16xf32> to vector<16xf32>
        %swap3A_428 = vector.shape_cast %get3A_296 : vector<16xf32> to vector<1x1x16xf32>
        tpu.vector_store %arg7[%swap3A_423, %swap3A_424, %swap3A_425], %swap3A_428 {strides = array<i32>} : memref<2x64x300xf32, #tpu.memory_space<vmem>>, vector<1x1x16xf32>,
        %scan3A_429 = arith.constant 1 : i32
        %scan3A_430 = arith.addi %scan3A_179, %scan3A_429 : i32
        %mul3A_431 = arith.constant 1 : i32
        %mul3A_432 = arith.muli %scan3A_430, %mul3A_431 : i32
        %add3A_433 = arith.constant 0 : i32
        %add3A_434 = arith.addi %add3A_433, %mul3A_432 : i32
        %get3A_435 = arith.constant 1 : i32
        %get3A_436 = arith.index_cast %get3A_435 : i32 to index
        %get3A_437 = arith.index_cast %add3A_434 : i32 to index
        %get3A_438 = arith.constant 0 : index
        %get3A_439 = tpu.vector_load %arg6[%get3A_436, %get3A_437, %get3A_438] {strides = array<i32>} : memref<2x64x384xf32, #tpu.memory_space<vmem>>, vector<1x1x16xf32>,
        %get3A_440 = vector.shape_cast %get3A_439 : vector<1x1x16xf32> to vector<16xf32>
        %get3A_441 = arith.constant 1 : i32
        %get3A_442 = arith.index_cast %get3A_441 : i32 to index
        %get3A_443 = arith.index_cast %add3A_434 : i32 to index
        %get3A_444 = arith.constant 16 : index
        %get3A_445 = tpu.vector_load %arg6[%get3A_442, %get3A_443, %get3A_444] {strides = array<i32>} : memref<2x64x384xf32, #tpu.memory_space<vmem>>, vector<1x1x16xf32>,
        %get3A_446 = vector.shape_cast %get3A_445 : vector<1x1x16xf32> to vector<16xf32>
        %get3A_447 = arith.constant 1 : i32
        %get3A_448 = arith.index_cast %get3A_447 : i32 to index
        %get3A_449 = arith.index_cast %add3A_434 : i32 to index
        %get3A_450 = arith.constant 32 : index
        %get3A_451 = tpu.vector_load %arg6[%get3A_448, %get3A_449, %get3A_450] {strides = array<i32>} : memref<2x64x384xf32, #tpu.memory_space<vmem>>, vector<1x1x16xf32>,
        %get3A_452 = vector.shape_cast %get3A_451 : vector<1x1x16xf32> to vector<16xf32>
        %get3A_453 = arith.constant 1 : i32
        %get3A_454 = arith.index_cast %get3A_453 : i32 to index
        %get3A_455 = arith.index_cast %add3A_434 : i32 to index
        %get3A_456 = arith.constant 48 : index
        %get3A_457 = tpu.vector_load %arg6[%get3A_454, %get3A_455, %get3A_456] {strides = array<i32>} : memref<2x64x384xf32, #tpu.memory_space<vmem>>, vector<1x1x16xf32>,
        %get3A_458 = vector.shape_cast %get3A_457 : vector<1x1x16xf32> to vector<16xf32>
        %get3A_459 = arith.constant 1 : i32
        %get3A_460 = arith.index_cast %get3A_459 : i32 to index
        %get3A_461 = arith.index_cast %add3A_434 : i32 to index
        %get3A_462 = arith.constant 64 : index
        %get3A_463 = tpu.vector_load %arg6[%get3A_460, %get3A_461, %get3A_462] {strides = array<i32>} : memref<2x64x384xf32, #tpu.memory_space<vmem>>, vector<1x1x16xf32>,
        %get3A_464 = vector.shape_cast %get3A_463 : vector<1x1x16xf32> to vector<16xf32>
        %get3A_465 = arith.constant 1 : i32
        %get3A_466 = arith.index_cast %get3A_465 : i32 to index
        %get3A_467 = arith.index_cast %add3A_434 : i32 to index
        %get3A_468 = arith.constant 80 : index
        %get3A_469 = tpu.vector_load %arg6[%get3A_466, %get3A_467, %get3A_468] {strides = array<i32>} : memref<2x64x384xf32, #tpu.memory_space<vmem>>, vector<1x1x16xf32>,
        %get3A_470 = vector.shape_cast %get3A_469 : vector<1x1x16xf32> to vector<16xf32>
        %get3A_471 = arith.constant 1 : i32
        %get3A_472 = arith.index_cast %get3A_471 : i32 to index
        %get3A_473 = arith.index_cast %add3A_434 : i32 to index
        %get3A_474 = arith.constant 96 : index
        %get3A_475 = tpu.vector_load %arg6[%get3A_472, %get3A_473, %get3A_474] {strides = array<i32>} : memref<2x64x384xf32, #tpu.memory_space<vmem>>, vector<1x1x16xf32>,
        %get3A_476 = vector.shape_cast %get3A_475 : vector<1x1x16xf32> to vector<16xf32>
        %get3A_477 = arith.constant 1 : i32
        %get3A_478 = arith.index_cast %get3A_477 : i32 to index
        %get3A_479 = arith.index_cast %add3A_434 : i32 to index
        %get3A_480 = arith.constant 112 : index
        %get3A_481 = tpu.vector_load %arg6[%get3A_478, %get3A_479, %get3A_480] {strides = array<i32>} : memref<2x64x384xf32, #tpu.memory_space<vmem>>, vector<1x1x16xf32>,
        %get3A_482 = vector.shape_cast %get3A_481 : vector<1x1x16xf32> to vector<16xf32>
        %get3A_483 = arith.constant 1 : i32
        %get3A_484 = arith.index_cast %get3A_483 : i32 to index
        %get3A_485 = arith.index_cast %add3A_434 : i32 to index
        %get3A_486 = arith.constant 128 : index
        %get3A_487 = tpu.vector_load %arg6[%get3A_484, %get3A_485, %get3A_486] {strides = array<i32>} : memref<2x64x384xf32, #tpu.memory_space<vmem>>, vector<1x1x16xf32>,
        %get3A_488 = vector.shape_cast %get3A_487 : vector<1x1x16xf32> to vector<16xf32>
        %get3A_489 = arith.constant 1 : i32
        %get3A_490 = arith.index_cast %get3A_489 : i32 to index
        %get3A_491 = arith.index_cast %add3A_434 : i32 to index
        %get3A_492 = arith.constant 144 : index
        %get3A_493 = tpu.vector_load %arg6[%get3A_490, %get3A_491, %get3A_492] {strides = array<i32>} : memref<2x64x384xf32, #tpu.memory_space<vmem>>, vector<1x1x16xf32>,
        %get3A_494 = vector.shape_cast %get3A_493 : vector<1x1x16xf32> to vector<16xf32>
        %get3A_495 = arith.constant 1 : i32
        %get3A_496 = arith.index_cast %get3A_495 : i32 to index
        %get3A_497 = arith.index_cast %add3A_434 : i32 to index
        %get3A_498 = arith.constant 160 : index
        %get3A_499 = tpu.vector_load %arg6[%get3A_496, %get3A_497, %get3A_498] {strides = array<i32>} : memref<2x64x384xf32, #tpu.memory_space<vmem>>, vector<1x1x16xf32>,
        %get3A_500 = vector.shape_cast %get3A_499 : vector<1x1x16xf32> to vector<16xf32>
        %get3A_501 = arith.constant 1 : i32
        %get3A_502 = arith.index_cast %get3A_501 : i32 to index
        %get3A_503 = arith.index_cast %add3A_434 : i32 to index
        %get3A_504 = arith.constant 176 : index
        %get3A_505 = tpu.vector_load %arg6[%get3A_502, %get3A_503, %get3A_504] {strides = array<i32>} : memref<2x64x384xf32, #tpu.memory_space<vmem>>, vector<1x1x16xf32>,
        %get3A_506 = vector.shape_cast %get3A_505 : vector<1x1x16xf32> to vector<16xf32>
        %get3A_507 = arith.constant 1 : i32
        %get3A_508 = arith.index_cast %get3A_507 : i32 to index
        %get3A_509 = arith.index_cast %add3A_434 : i32 to index
        %get3A_510 = arith.constant 192 : index
        %get3A_511 = tpu.vector_load %arg6[%get3A_508, %get3A_509, %get3A_510] {strides = array<i32>} : memref<2x64x384xf32, #tpu.memory_space<vmem>>, vector<1x1x16xf32>,
        %get3A_512 = vector.shape_cast %get3A_511 : vector<1x1x16xf32> to vector<16xf32>
        %get3A_513 = arith.constant 1 : i32
        %get3A_514 = arith.index_cast %get3A_513 : i32 to index
        %get3A_515 = arith.index_cast %add3A_434 : i32 to index
        %get3A_516 = arith.constant 208 : index
        %get3A_517 = tpu.vector_load %arg6[%get3A_514, %get3A_515, %get3A_516] {strides = array<i32>} : memref<2x64x384xf32, #tpu.memory_space<vmem>>, vector<1x1x16xf32>,
        %get3A_518 = vector.shape_cast %get3A_517 : vector<1x1x16xf32> to vector<16xf32>
        %get3A_519 = arith.constant 1 : i32
        %get3A_520 = arith.index_cast %get3A_519 : i32 to index
        %get3A_521 = arith.index_cast %add3A_434 : i32 to index
        %get3A_522 = arith.constant 224 : index
        %get3A_523 = tpu.vector_load %arg6[%get3A_520, %get3A_521, %get3A_522] {strides = array<i32>} : memref<2x64x384xf32, #tpu.memory_space<vmem>>, vector<1x1x16xf32>,
        %get3A_524 = vector.shape_cast %get3A_523 : vector<1x1x16xf32> to vector<16xf32>
        %get3A_525 = arith.constant 1 : i32
        %get3A_526 = arith.index_cast %get3A_525 : i32 to index
        %get3A_527 = arith.index_cast %add3A_434 : i32 to index
        %get3A_528 = arith.constant 240 : index
        %get3A_529 = tpu.vector_load %arg6[%get3A_526, %get3A_527, %get3A_528] {strides = array<i32>} : memref<2x64x384xf32, #tpu.memory_space<vmem>>, vector<1x1x16xf32>,
        %get3A_530 = vector.shape_cast %get3A_529 : vector<1x1x16xf32> to vector<16xf32>
        %get3A_531 = arith.constant 1 : i32
        %get3A_532 = arith.index_cast %get3A_531 : i32 to index
        %get3A_533 = arith.index_cast %add3A_434 : i32 to index
        %get3A_534 = arith.constant 256 : index
        %get3A_535 = tpu.vector_load %arg6[%get3A_532, %get3A_533, %get3A_534] {strides = array<i32>} : memref<2x64x384xf32, #tpu.memory_space<vmem>>, vector<1x1x16xf32>,
        %get3A_536 = vector.shape_cast %get3A_535 : vector<1x1x16xf32> to vector<16xf32>
        %get3A_537 = arith.constant 1 : i32
        %get3A_538 = arith.index_cast %get3A_537 : i32 to index
        %get3A_539 = arith.index_cast %add3A_434 : i32 to index
        %get3A_540 = arith.constant 272 : index
        %get3A_541 = tpu.vector_load %arg6[%get3A_538, %get3A_539, %get3A_540] {strides = array<i32>} : memref<2x64x384xf32, #tpu.memory_space<vmem>>, vector<1x1x16xf32>,
        %get3A_542 = vector.shape_cast %get3A_541 : vector<1x1x16xf32> to vector<16xf32>
        %get3A_543 = arith.constant 1 : i32
        %get3A_544 = arith.index_cast %get3A_543 : i32 to index
        %get3A_545 = arith.index_cast %add3A_434 : i32 to index
        %get3A_546 = arith.constant 284 : index
        %get3A_547 = tpu.vector_load %arg6[%get3A_544, %get3A_545, %get3A_546] {strides = array<i32>} : memref<2x64x384xf32, #tpu.memory_space<vmem>>, vector<1x1x16xf32>,
        %get3A_548 = vector.shape_cast %get3A_547 : vector<1x1x16xf32> to vector<16xf32>
        %swap3A_549 = arith.constant 1 : i32
        %swap3A_550 = arith.index_cast %swap3A_549 : i32 to index
        %swap3A_551 = arith.index_cast %add3A_434 : i32 to index
        %swap3A_552 = arith.constant 0 : index
        %swap3A_553 = tpu.vector_load %arg7[%swap3A_550, %swap3A_551, %swap3A_552] {strides = array<i32>} : memref<2x64x300xf32, #tpu.memory_space<vmem>>, vector<1x1x16xf32>,
        %swap3A_554 = vector.shape_cast %swap3A_553 : vector<1x1x16xf32> to vector<16xf32>
        %swap3A_555 = vector.shape_cast %get3A_440 : vector<16xf32> to vector<1x1x16xf32>
        tpu.vector_store %arg7[%swap3A_550, %swap3A_551, %swap3A_552], %swap3A_555 {strides = array<i32>} : memref<2x64x300xf32, #tpu.memory_space<vmem>>, vector<1x1x16xf32>,
        %swap3A_556 = arith.constant 1 : i32
        %swap3A_557 = arith.index_cast %swap3A_556 : i32 to index
        %swap3A_558 = arith.index_cast %add3A_434 : i32 to index
        %swap3A_559 = arith.constant 16 : index
        %swap3A_560 = tpu.vector_load %arg7[%swap3A_557, %swap3A_558, %swap3A_559] {strides = array<i32>} : memref<2x64x300xf32, #tpu.memory_space<vmem>>, vector<1x1x16xf32>,
        %swap3A_561 = vector.shape_cast %swap3A_560 : vector<1x1x16xf32> to vector<16xf32>
        %swap3A_562 = vector.shape_cast %get3A_446 : vector<16xf32> to vector<1x1x16xf32>
        tpu.vector_store %arg7[%swap3A_557, %swap3A_558, %swap3A_559], %swap3A_562 {strides = array<i32>} : memref<2x64x300xf32, #tpu.memory_space<vmem>>, vector<1x1x16xf32>,
        %swap3A_563 = arith.constant 1 : i32
        %swap3A_564 = arith.index_cast %swap3A_563 : i32 to index
        %swap3A_565 = arith.index_cast %add3A_434 : i32 to index
        %swap3A_566 = arith.constant 32 : index
        %swap3A_567 = tpu.vector_load %arg7[%swap3A_564, %swap3A_565, %swap3A_566] {strides = array<i32>} : memref<2x64x300xf32, #tpu.memory_space<vmem>>, vector<1x1x16xf32>,
        %swap3A_568 = vector.shape_cast %swap3A_567 : vector<1x1x16xf32> to vector<16xf32>
        %swap3A_569 = vector.shape_cast %get3A_452 : vector<16xf32> to vector<1x1x16xf32>
        tpu.vector_store %arg7[%swap3A_564, %swap3A_565, %swap3A_566], %swap3A_569 {strides = array<i32>} : memref<2x64x300xf32, #tpu.memory_space<vmem>>, vector<1x1x16xf32>,
        %swap3A_570 = arith.constant 1 : i32
        %swap3A_571 = arith.index_cast %swap3A_570 : i32 to index
        %swap3A_572 = arith.index_cast %add3A_434 : i32 to index
        %swap3A_573 = arith.constant 48 : index
        %swap3A_574 = tpu.vector_load %arg7[%swap3A_571, %swap3A_572, %swap3A_573] {strides = array<i32>} : memref<2x64x300xf32, #tpu.memory_space<vmem>>, vector<1x1x16xf32>,
        %swap3A_575 = vector.shape_cast %swap3A_574 : vector<1x1x16xf32> to vector<16xf32>
        %swap3A_576 = vector.shape_cast %get3A_458 : vector<16xf32> to vector<1x1x16xf32>
        tpu.vector_store %arg7[%swap3A_571, %swap3A_572, %swap3A_573], %swap3A_576 {strides = array<i32>} : memref<2x64x300xf32, #tpu.memory_space<vmem>>, vector<1x1x16xf32>,
        %swap3A_577 = arith.constant 1 : i32
        %swap3A_578 = arith.index_cast %swap3A_577 : i32 to index
        %swap3A_579 = arith.index_cast %add3A_434 : i32 to index
        %swap3A_580 = arith.constant 64 : index
        %swap3A_581 = tpu.vector_load %arg7[%swap3A_578, %swap3A_579, %swap3A_580] {strides = array<i32>} : memref<2x64x300xf32, #tpu.memory_space<vmem>>, vector<1x1x16xf32>,
        %swap3A_582 = vector.shape_cast %swap3A_581 : vector<1x1x16xf32> to vector<16xf32>
        %swap3A_583 = vector.shape_cast %get3A_464 : vector<16xf32> to vector<1x1x16xf32>
        tpu.vector_store %arg7[%swap3A_578, %swap3A_579, %swap3A_580], %swap3A_583 {strides = array<i32>} : memref<2x64x300xf32, #tpu.memory_space<vmem>>, vector<1x1x16xf32>,
        %swap3A_584 = arith.constant 1 : i32
        %swap3A_585 = arith.index_cast %swap3A_584 : i32 to index
        %swap3A_586 = arith.index_cast %add3A_434 : i32 to index
        %swap3A_587 = arith.constant 80 : index
        %swap3A_588 = tpu.vector_load %arg7[%swap3A_585, %swap3A_586, %swap3A_587] {strides = array<i32>} : memref<2x64x300xf32, #tpu.memory_space<vmem>>, vector<1x1x16xf32>,
        %swap3A_589 = vector.shape_cast %swap3A_588 : vector<1x1x16xf32> to vector<16xf32>
        %swap3A_590 = vector.shape_cast %get3A_470 : vector<16xf32> to vector<1x1x16xf32>
        tpu.vector_store %arg7[%swap3A_585, %swap3A_586, %swap3A_587], %swap3A_590 {strides = array<i32>} : memref<2x64x300xf32, #tpu.memory_space<vmem>>, vector<1x1x16xf32>,
        %swap3A_591 = arith.constant 1 : i32
        %swap3A_592 = arith.index_cast %swap3A_591 : i32 to index
        %swap3A_593 = arith.index_cast %add3A_434 : i32 to index
        %swap3A_594 = arith.constant 96 : index
        %swap3A_595 = tpu.vector_load %arg7[%swap3A_592, %swap3A_593, %swap3A_594] {strides = array<i32>} : memref<2x64x300xf32, #tpu.memory_space<vmem>>, vector<1x1x16xf32>,
        %swap3A_596 = vector.shape_cast %swap3A_595 : vector<1x1x16xf32> to vector<16xf32>
        %swap3A_597 = vector.shape_cast %get3A_476 : vector<16xf32> to vector<1x1x16xf32>
        tpu.vector_store %arg7[%swap3A_592, %swap3A_593, %swap3A_594], %swap3A_597 {strides = array<i32>} : memref<2x64x300xf32, #tpu.memory_space<vmem>>, vector<1x1x16xf32>,
        %swap3A_598 = arith.constant 1 : i32
        %swap3A_599 = arith.index_cast %swap3A_598 : i32 to index
        %swap3A_600 = arith.index_cast %add3A_434 : i32 to index
        %swap3A_601 = arith.constant 112 : index
        %swap3A_602 = tpu.vector_load %arg7[%swap3A_599, %swap3A_600, %swap3A_601] {strides = array<i32>} : memref<2x64x300xf32, #tpu.memory_space<vmem>>, vector<1x1x16xf32>,
        %swap3A_603 = vector.shape_cast %swap3A_602 : vector<1x1x16xf32> to vector<16xf32>
        %swap3A_604 = vector.shape_cast %get3A_482 : vector<16xf32> to vector<1x1x16xf32>
        tpu.vector_store %arg7[%swap3A_599, %swap3A_600, %swap3A_601], %swap3A_604 {strides = array<i32>} : memref<2x64x300xf32, #tpu.memory_space<vmem>>, vector<1x1x16xf32>,
        %swap3A_605 = arith.constant 1 : i32
        %swap3A_606 = arith.index_cast %swap3A_605 : i32 to index
        %swap3A_607 = arith.index_cast %add3A_434 : i32 to index
        %swap3A_608 = arith.constant 128 : index
        %swap3A_609 = tpu.vector_load %arg7[%swap3A_606, %swap3A_607, %swap3A_608] {strides = array<i32>} : memref<2x64x300xf32, #tpu.memory_space<vmem>>, vector<1x1x16xf32>,
        %swap3A_610 = vector.shape_cast %swap3A_609 : vector<1x1x16xf32> to vector<16xf32>
        %swap3A_611 = vector.shape_cast %get3A_488 : vector<16xf32> to vector<1x1x16xf32>
        tpu.vector_store %arg7[%swap3A_606, %swap3A_607, %swap3A_608], %swap3A_611 {strides = array<i32>} : memref<2x64x300xf32, #tpu.memory_space<vmem>>, vector<1x1x16xf32>,
        %swap3A_612 = arith.constant 1 : i32
        %swap3A_613 = arith.index_cast %swap3A_612 : i32 to index
        %swap3A_614 = arith.index_cast %add3A_434 : i32 to index
        %swap3A_615 = arith.constant 144 : index
        %swap3A_616 = tpu.vector_load %arg7[%swap3A_613, %swap3A_614, %swap3A_615] {strides = array<i32>} : memref<2x64x300xf32, #tpu.memory_space<vmem>>, vector<1x1x16xf32>,
        %swap3A_617 = vector.shape_cast %swap3A_616 : vector<1x1x16xf32> to vector<16xf32>
        %swap3A_618 = vector.shape_cast %get3A_494 : vector<16xf32> to vector<1x1x16xf32>
        tpu.vector_store %arg7[%swap3A_613, %swap3A_614, %swap3A_615], %swap3A_618 {strides = array<i32>} : memref<2x64x300xf32, #tpu.memory_space<vmem>>, vector<1x1x16xf32>,
        %swap3A_619 = arith.constant 1 : i32
        %swap3A_620 = arith.index_cast %swap3A_619 : i32 to index
        %swap3A_621 = arith.index_cast %add3A_434 : i32 to index
        %swap3A_622 = arith.constant 160 : index
        %swap3A_623 = tpu.vector_load %arg7[%swap3A_620, %swap3A_621, %swap3A_622] {strides = array<i32>} : memref<2x64x300xf32, #tpu.memory_space<vmem>>, vector<1x1x16xf32>,
        %swap3A_624 = vector.shape_cast %swap3A_623 : vector<1x1x16xf32> to vector<16xf32>
        %swap3A_625 = vector.shape_cast %get3A_500 : vector<16xf32> to vector<1x1x16xf32>
        tpu.vector_store %arg7[%swap3A_620, %swap3A_621, %swap3A_622], %swap3A_625 {strides = array<i32>} : memref<2x64x300xf32, #tpu.memory_space<vmem>>, vector<1x1x16xf32>,
        %swap3A_626 = arith.constant 1 : i32
        %swap3A_627 = arith.index_cast %swap3A_626 : i32 to index
        %swap3A_628 = arith.index_cast %add3A_434 : i32 to index
        %swap3A_629 = arith.constant 176 : index
        %swap3A_630 = tpu.vector_load %arg7[%swap3A_627, %swap3A_628, %swap3A_629] {strides = array<i32>} : memref<2x64x300xf32, #tpu.memory_space<vmem>>, vector<1x1x16xf32>,
        %swap3A_631 = vector.shape_cast %swap3A_630 : vector<1x1x16xf32> to vector<16xf32>
        %swap3A_632 = vector.shape_cast %get3A_506 : vector<16xf32> to vector<1x1x16xf32>
        tpu.vector_store %arg7[%swap3A_627, %swap3A_628, %swap3A_629], %swap3A_632 {strides = array<i32>} : memref<2x64x300xf32, #tpu.memory_space<vmem>>, vector<1x1x16xf32>,
        %swap3A_633 = arith.constant 1 : i32
        %swap3A_634 = arith.index_cast %swap3A_633 : i32 to index
        %swap3A_635 = arith.index_cast %add3A_434 : i32 to index
        %swap3A_636 = arith.constant 192 : index
        %swap3A_637 = tpu.vector_load %arg7[%swap3A_634, %swap3A_635, %swap3A_636] {strides = array<i32>} : memref<2x64x300xf32, #tpu.memory_space<vmem>>, vector<1x1x16xf32>,
        %swap3A_638 = vector.shape_cast %swap3A_637 : vector<1x1x16xf32> to vector<16xf32>
        %swap3A_639 = vector.shape_cast %get3A_512 : vector<16xf32> to vector<1x1x16xf32>
        tpu.vector_store %arg7[%swap3A_634, %swap3A_635, %swap3A_636], %swap3A_639 {strides = array<i32>} : memref<2x64x300xf32, #tpu.memory_space<vmem>>, vector<1x1x16xf32>,
        %swap3A_640 = arith.constant 1 : i32
        %swap3A_641 = arith.index_cast %swap3A_640 : i32 to index
        %swap3A_642 = arith.index_cast %add3A_434 : i32 to index
        %swap3A_643 = arith.constant 208 : index
        %swap3A_644 = tpu.vector_load %arg7[%swap3A_641, %swap3A_642, %swap3A_643] {strides = array<i32>} : memref<2x64x300xf32, #tpu.memory_space<vmem>>, vector<1x1x16xf32>,
        %swap3A_645 = vector.shape_cast %swap3A_644 : vector<1x1x16xf32> to vector<16xf32>
        %swap3A_646 = vector.shape_cast %get3A_518 : vector<16xf32> to vector<1x1x16xf32>
        tpu.vector_store %arg7[%swap3A_641, %swap3A_642, %swap3A_643], %swap3A_646 {strides = array<i32>} : memref<2x64x300xf32, #tpu.memory_space<vmem>>, vector<1x1x16xf32>,
        %swap3A_647 = arith.constant 1 : i32
        %swap3A_648 = arith.index_cast %swap3A_647 : i32 to index
        %swap3A_649 = arith.index_cast %add3A_434 : i32 to index
        %swap3A_650 = arith.constant 224 : index
        %swap3A_651 = tpu.vector_load %arg7[%swap3A_648, %swap3A_649, %swap3A_650] {strides = array<i32>} : memref<2x64x300xf32, #tpu.memory_space<vmem>>, vector<1x1x16xf32>,
        %swap3A_652 = vector.shape_cast %swap3A_651 : vector<1x1x16xf32> to vector<16xf32>
        %swap3A_653 = vector.shape_cast %get3A_524 : vector<16xf32> to vector<1x1x16xf32>
        tpu.vector_store %arg7[%swap3A_648, %swap3A_649, %swap3A_650], %swap3A_653 {strides = array<i32>} : memref<2x64x300xf32, #tpu.memory_space<vmem>>, vector<1x1x16xf32>,
        %swap3A_654 = arith.constant 1 : i32
        %swap3A_655 = arith.index_cast %swap3A_654 : i32 to index
        %swap3A_656 = arith.index_cast %add3A_434 : i32 to index
        %swap3A_657 = arith.constant 240 : index
        %swap3A_658 = tpu.vector_load %arg7[%swap3A_655, %swap3A_656, %swap3A_657] {strides = array<i32>} : memref<2x64x300xf32, #tpu.memory_space<vmem>>, vector<1x1x16xf32>,
        %swap3A_659 = vector.shape_cast %swap3A_658 : vector<1x1x16xf32> to vector<16xf32>
        %swap3A_660 = vector.shape_cast %get3A_530 : vector<16xf32> to vector<1x1x16xf32>
        tpu.vector_store %arg7[%swap3A_655, %swap3A_656, %swap3A_657], %swap3A_660 {strides = array<i32>} : memref<2x64x300xf32, #tpu.memory_space<vmem>>, vector<1x1x16xf32>,
        %swap3A_661 = arith.constant 1 : i32
        %swap3A_662 = arith.index_cast %swap3A_661 : i32 to index
        %swap3A_663 = arith.index_cast %add3A_434 : i32 to index
        %swap3A_664 = arith.constant 256 : index
        %swap3A_665 = tpu.vector_load %arg7[%swap3A_662, %swap3A_663, %swap3A_664] {strides = array<i32>} : memref<2x64x300xf32, #tpu.memory_space<vmem>>, vector<1x1x16xf32>,
        %swap3A_666 = vector.shape_cast %swap3A_665 : vector<1x1x16xf32> to vector<16xf32>
        %swap3A_667 = vector.shape_cast %get3A_536 : vector<16xf32> to vector<1x1x16xf32>
        tpu.vector_store %arg7[%swap3A_662, %swap3A_663, %swap3A_664], %swap3A_667 {strides = array<i32>} : memref<2x64x300xf32, #tpu.memory_space<vmem>>, vector<1x1x16xf32>,
        %swap3A_668 = arith.constant 1 : i32
        %swap3A_669 = arith.index_cast %swap3A_668 : i32 to index
        %swap3A_670 = arith.index_cast %add3A_434 : i32 to index
        %swap3A_671 = arith.constant 272 : index
        %swap3A_672 = tpu.vector_load %arg7[%swap3A_669, %swap3A_670, %swap3A_671] {strides = array<i32>} : memref<2x64x300xf32, #tpu.memory_space<vmem>>, vector<1x1x16xf32>,
        %swap3A_673 = vector.shape_cast %swap3A_672 : vector<1x1x16xf32> to vector<16xf32>
        %swap3A_674 = vector.shape_cast %get3A_542 : vector<16xf32> to vector<1x1x16xf32>
        tpu.vector_store %arg7[%swap3A_669, %swap3A_670, %swap3A_671], %swap3A_674 {strides = array<i32>} : memref<2x64x300xf32, #tpu.memory_space<vmem>>, vector<1x1x16xf32>,
        %swap3A_675 = arith.constant 1 : i32
        %swap3A_676 = arith.index_cast %swap3A_675 : i32 to index
        %swap3A_677 = arith.index_cast %add3A_434 : i32 to index
        %swap3A_678 = arith.constant 284 : index
        %swap3A_679 = tpu.vector_load %arg7[%swap3A_676, %swap3A_677, %swap3A_678] {strides = array<i32>} : memref<2x64x300xf32, #tpu.memory_space<vmem>>, vector<1x1x16xf32>,
        %swap3A_680 = vector.shape_cast %swap3A_679 : vector<1x1x16xf32> to vector<16xf32>
        %swap3A_681 = vector.shape_cast %get3A_548 : vector<16xf32> to vector<1x1x16xf32>
        tpu.vector_store %arg7[%swap3A_676, %swap3A_677, %swap3A_678], %swap3A_681 {strides = array<i32>} : memref<2x64x300xf32, #tpu.memory_space<vmem>>, vector<1x1x16xf32>,
      }
      %scan3A_151 = arith.constant 64 : i32
      %add3A_152 = arith.constant 2 : i32
      %add3A_153 = arith.addi %add3A_127, %add3A_152 : i32
      %lt3A_154 = arith.constant 100 : i32
      %lt3A_155 = arith.cmpi slt, %add3A_153, %lt3A_154 : i32
      %convert_element_type3A_156 = arith.extui %lt3A_155 : i1 to i32
      %cond3A_157 = arith.constant 0 : i32
      %cond3A_158 = arith.cmpi ne, %convert_element_type3A_156, %cond3A_157 : i32
      scf.if %cond3A_158 {
        %add3A_179 = arith.constant 2 : i32
        %add3A_180 = arith.addi %add3A_127, %add3A_179 : i32
        %dma_start3A_181 = arith.constant 1 : i32
        %dma_start3A_182 = arith.constant 1 : i32
        %dma_start3A_183 = arith.constant 0 : i32
        %dma_start3A_184 = arith.constant 0 : i32
        %dma_start3A_185 = tpu.memref_slice %arg6[%dma_start3A_181, %dma_start3A_183, %dma_start3A_184] : memref<2x64x384xf32, #tpu.memory_space<vmem>> -> memref<1x64x384xf32, #tpu.memory_space<vmem>>
        %dma_start3A_186 = tpu.memref_squeeze %dma_start3A_185 : memref<1x64x384xf32, #tpu.memory_space<vmem>> -> memref<64x384xf32, #tpu.memory_space<vmem>>
        %dma_start3A_187 = arith.constant 0 : i32
        %dma_start3A_188 = tpu.memref_slice %arg5[%add3A_180, %dma_start3A_187] : memref<100x64xi32, #tpu.memory_space<vmem>> -> memref<1x64xi32, #tpu.memory_space<vmem>>
        %dma_start3A_189 = tpu.memref_squeeze %dma_start3A_188 : memref<1x64xi32, #tpu.memory_space<vmem>> -> memref<64xi32, #tpu.memory_space<vmem>>
        %dma_start3A_190 = arith.constant 0 : i32
        %dma_start3A_191 = arith.constant 0 : i32
        %dma_start3A_192 = tpu.memref_slice %arg2[%dma_start3A_190, %dma_start3A_191] : memref<20000x384xf32, #tpu.memory_space<hbm>> -> memref<20000x384xf32, #tpu.memory_space<hbm>>
        %dma_start3A_193 = tpu.memref_slice %arg8[%dma_start3A_182] : memref<2x!tpu.dma_semaphore, #tpu.memory_space<semaphore_mem>> -> memref<1x!tpu.dma_semaphore, #tpu.memory_space<semaphore_mem>>
        %dma_start3A_194 = tpu.memref_squeeze %dma_start3A_193 : memref<1x!tpu.dma_semaphore, #tpu.memory_space<semaphore_mem>> -> memref<!tpu.dma_semaphore, #tpu.memory_space<semaphore_mem>>
        tpu.enqueue_indirect_dma source(%dma_start3A_192 : memref<20000x384xf32, #tpu.memory_space<hbm>>) target(%dma_start3A_186 : memref<64x384xf32, #tpu.memory_space<vmem>>) offsets(%dma_start3A_189 : memref<64xi32, #tpu.memory_space<vmem>>) semaphore(%dma_start3A_194 : memref<!tpu.dma_semaphore, #tpu.memory_space<semaphore_mem>>)
      } else {
      }
      %mul3A_159 = arith.constant 64 : i32
      %mul3A_160 = arith.muli %add3A_127, %mul3A_159 : i32
      %add3A_161 = arith.addi %mul3A_2, %mul3A_160 : i32
      %multiple_of3A_162 = tpu.assume_multiple %add3A_161, 8 : i32
      %dma_start3A_163 = arith.constant 1 : i32
      %dma_start3A_164 = arith.constant 1 : i32
      %dma_start3A_165 = arith.constant 0 : i32
      %dma_start3A_166 = arith.constant 0 : i32
      %dma_start3A_167 = tpu.memref_slice %arg7[%dma_start3A_163, %dma_start3A_165, %dma_start3A_166] : memref<2x64x300xf32, #tpu.memory_space<vmem>> -> memref<1x64x300xf32, #tpu.memory_space<vmem>>
      %dma_start3A_168 = tpu.memref_squeeze %dma_start3A_167 : memref<1x64x300xf32, #tpu.memory_space<vmem>> -> memref<64x300xf32, #tpu.memory_space<vmem>>
      %dma_start3A_169 = arith.constant 0 : i32
      %dma_start3A_170 = tpu.memref_slice %arg4[%multiple_of3A_162, %dma_start3A_169] : memref<204800x300xf32, #tpu.memory_space<hbm>> -> memref<64x300xf32, #tpu.memory_space<hbm>>
      %dma_start3A_171 = tpu.memref_slice %arg9[%dma_start3A_164] : memref<2x!tpu.dma_semaphore, #tpu.memory_space<semaphore_mem>> -> memref<1x!tpu.dma_semaphore, #tpu.memory_space<semaphore_mem>>
      %dma_start3A_172 = tpu.memref_squeeze %dma_start3A_171 : memref<1x!tpu.dma_semaphore, #tpu.memory_space<semaphore_mem>> -> memref<!tpu.dma_semaphore, #tpu.memory_space<semaphore_mem>>
      %dma_start3A_173 = arith.constant 0 : i32
      %dma_start3A_174 = tpu.memref_slice %arg4[%multiple_of3A_162, %dma_start3A_173] : memref<204800x300xf32, #tpu.memory_space<hbm>> -> memref<64x300xf32, #tpu.memory_space<hbm>>
      %dma_start3A_175 = arith.constant 0 : i32
      %dma_start3A_176 = arith.constant 0 : i32
      %dma_start3A_177 = tpu.memref_slice %arg7[%dma_start3A_163, %dma_start3A_175, %dma_start3A_176] : memref<2x64x300xf32, #tpu.memory_space<vmem>> -> memref<1x64x300xf32, #tpu.memory_space<vmem>>
      %dma_start3A_178 = tpu.memref_squeeze %dma_start3A_177 : memref<1x64x300xf32, #tpu.memory_space<vmem>> -> memref<64x300xf32, #tpu.memory_space<vmem>>
      tpu.enqueue_dma source(%dma_start3A_178 : memref<64x300xf32, #tpu.memory_space<vmem>>) target(%dma_start3A_174 : memref<64x300xf32, #tpu.memory_space<hbm>>) target_semaphore(%dma_start3A_172 : memref<!tpu.dma_semaphore, #tpu.memory_space<semaphore_mem>>)
    }
    %scan3A_35 = arith.constant 50 : i32
    %add3A_36 = arith.constant 6272 : i32
    %add3A_37 = arith.addi %mul3A_2, %add3A_36 : i32
    %multiple_of3A = tpu.assume_multiple %add3A_37, 8 : i32
    %dma_wait3A = arith.constant 0 : i32
    %dma_wait3A_38 = arith.constant 0 : i32
    %dma_wait3A_39 = arith.constant 0 : i32
    %dma_wait3A_40 = arith.constant 0 : i32
    %dma_wait3A_41 = tpu.memref_slice %arg7[%dma_wait3A, %dma_wait3A_39, %dma_wait3A_40] : memref<2x64x300xf32, #tpu.memory_space<vmem>> -> memref<1x64x300xf32, #tpu.memory_space<vmem>>
    %dma_wait3A_42 = tpu.memref_squeeze %dma_wait3A_41 : memref<1x64x300xf32, #tpu.memory_space<vmem>> -> memref<64x300xf32, #tpu.memory_space<vmem>>
    %dma_wait3A_43 = arith.constant 0 : i32
    %dma_wait3A_44 = tpu.memref_slice %arg4[%multiple_of3A, %dma_wait3A_43] : memref<204800x300xf32, #tpu.memory_space<hbm>> -> memref<64x300xf32, #tpu.memory_space<hbm>>
    %dma_wait3A_45 = tpu.memref_slice %arg9[%dma_wait3A_38] : memref<2x!tpu.dma_semaphore, #tpu.memory_space<semaphore_mem>> -> memref<1x!tpu.dma_semaphore, #tpu.memory_space<semaphore_mem>>
    %dma_wait3A_46 = tpu.memref_squeeze %dma_wait3A_45 : memref<1x!tpu.dma_semaphore, #tpu.memory_space<semaphore_mem>> -> memref<!tpu.dma_semaphore, #tpu.memory_space<semaphore_mem>>
    %dma_wait3A_47 = arith.constant 0 : i32
    %dma_wait3A_48 = tpu.memref_slice %arg4[%multiple_of3A, %dma_wait3A_47] : memref<204800x300xf32, #tpu.memory_space<hbm>> -> memref<64x300xf32, #tpu.memory_space<hbm>>
    %dma_wait3A_49 = arith.constant 0 : i32
    %dma_wait3A_50 = arith.constant 0 : i32
    %dma_wait3A_51 = tpu.memref_slice %arg7[%dma_wait3A, %dma_wait3A_49, %dma_wait3A_50] : memref<2x64x300xf32, #tpu.memory_space<vmem>> -> memref<1x64x300xf32, #tpu.memory_space<vmem>>
    %dma_wait3A_52 = tpu.memref_squeeze %dma_wait3A_51 : memref<1x64x300xf32, #tpu.memory_space<vmem>> -> memref<64x300xf32, #tpu.memory_space<vmem>>
    tpu.wait_dma2 semaphore(%dma_wait3A_46 : memref<!tpu.dma_semaphore, #tpu.memory_space<semaphore_mem>>) src(%dma_wait3A_52 : memref<64x300xf32, #tpu.memory_space<vmem>>) dst(%dma_wait3A_48 : memref<64x300xf32, #tpu.memory_space<hbm>>)
    %add3A_53 = arith.constant 6336 : i32
    %add3A_54 = arith.addi %mul3A_2, %add3A_53 : i32
    %multiple_of3A_55 = tpu.assume_multiple %add3A_54, 8 : i32
    %dma_wait3A_56 = arith.constant 1 : i32
    %dma_wait3A_57 = arith.constant 1 : i32
    %dma_wait3A_58 = arith.constant 0 : i32
    %dma_wait3A_59 = arith.constant 0 : i32
    %dma_wait3A_60 = tpu.memref_slice %arg7[%dma_wait3A_56, %dma_wait3A_58, %dma_wait3A_59] : memref<2x64x300xf32, #tpu.memory_space<vmem>> -> memref<1x64x300xf32, #tpu.memory_space<vmem>>
    %dma_wait3A_61 = tpu.memref_squeeze %dma_wait3A_60 : memref<1x64x300xf32, #tpu.memory_space<vmem>> -> memref<64x300xf32, #tpu.memory_space<vmem>>
    %dma_wait3A_62 = arith.constant 0 : i32
    %dma_wait3A_63 = tpu.memref_slice %arg4[%multiple_of3A_55, %dma_wait3A_62] : memref<204800x300xf32, #tpu.memory_space<hbm>> -> memref<64x300xf32, #tpu.memory_space<hbm>>
    %dma_wait3A_64 = tpu.memref_slice %arg9[%dma_wait3A_57] : memref<2x!tpu.dma_semaphore, #tpu.memory_space<semaphore_mem>> -> memref<1x!tpu.dma_semaphore, #tpu.memory_space<semaphore_mem>>
    %dma_wait3A_65 = tpu.memref_squeeze %dma_wait3A_64 : memref<1x!tpu.dma_semaphore, #tpu.memory_space<semaphore_mem>> -> memref<!tpu.dma_semaphore, #tpu.memory_space<semaphore_mem>>
    %dma_wait3A_66 = arith.constant 0 : i32
    %dma_wait3A_67 = tpu.memref_slice %arg4[%multiple_of3A_55, %dma_wait3A_66] : memref<204800x300xf32, #tpu.memory_space<hbm>> -> memref<64x300xf32, #tpu.memory_space<hbm>>
    %dma_wait3A_68 = arith.constant 0 : i32
    %dma_wait3A_69 = arith.constant 0 : i32
    %dma_wait3A_70 = tpu.memref_slice %arg7[%dma_wait3A_56, %dma_wait3A_68, %dma_wait3A_69] : memref<2x64x300xf32, #tpu.memory_space<vmem>> -> memref<1x64x300xf32, #tpu.memory_space<vmem>>
    %dma_wait3A_71 = tpu.memref_squeeze %dma_wait3A_70 : memref<1x64x300xf32, #tpu.memory_space<vmem>> -> memref<64x300xf32, #tpu.memory_space<vmem>>
    tpu.wait_dma2 semaphore(%dma_wait3A_65 : memref<!tpu.dma_semaphore, #tpu.memory_space<semaphore_mem>>) src(%dma_wait3A_71 : memref<64x300xf32, #tpu.memory_space<vmem>>) dst(%dma_wait3A_67 : memref<64x300xf32, #tpu.memory_space<hbm>>)
    return
  }
}

module attributes {stable_mosaic.version = 14 : i64} {
  func.func @_ln_table_body(%arg0: i32, %arg1: memref<2000x300xf32, #tpu.memory_space<vmem>>, %arg2: memref<1x300xf32, #tpu.memory_space<vmem>>, %arg3: memref<1x300xf32, #tpu.memory_space<vmem>>, %arg4: memref<2000x384xf32, #tpu.memory_space<vmem>>) attributes {dimension_semantics = [#tpu.dimension_semantics<arbitrary>], iteration_bounds = array<i64: 10>, scalar_prefetch = 0 : i64, scratch_operands = 0 : i64, tpu.core_type = #tpu.core_type<tc>, window_params = [{transform_indices = @transform_0, window_bounds = array<i64: 2000, 300>}, {pipeline_mode = #tpu.pipeline_mode<synchronous>, transform_indices = @transform_1, window_bounds = array<i64: 1, 300>}, {pipeline_mode = #tpu.pipeline_mode<synchronous>, transform_indices = @transform_2, window_bounds = array<i64: 1, 300>}, {transform_indices = @transform_3, window_bounds = array<i64: 2000, 384>}]} {
    %get3A = arith.constant 0 : index
    %get3A_0 = arith.constant 0 : index
    %get3A_1 = vector.load %arg1[%get3A, %get3A_0] : memref<2000x300xf32, #tpu.memory_space<vmem>>, vector<2000x300xf32>
    %reduce_sum3A = arith.constant dense<0.000000e+00> : vector<2000xf32>
    %reduce_sum3A_2 = vector.multi_reduction <add>, %get3A_1, %reduce_sum3A [1] : vector<2000x300xf32> to vector<2000xf32>
    %broadcast_in_dim3A = vector.shape_cast %reduce_sum3A_2 : vector<2000xf32> to vector<2000x1xf32>
    %div3A = arith.constant 3.000000e+02 : f32
    %div3A_3 = vector.broadcast %div3A : f32 to vector<2000x1xf32>
    %div3A_4 = arith.divf %broadcast_in_dim3A, %div3A_3 : vector<2000x1xf32>
    %sub3A = vector.broadcast %div3A_4 : vector<2000x1xf32> to vector<2000x300xf32>
    %sub3A_5 = arith.subf %get3A_1, %sub3A : vector<2000x300xf32>
    %integer_pow3A = arith.mulf %sub3A_5, %sub3A_5 : vector<2000x300xf32>
    %reduce_sum3A_6 = arith.constant dense<0.000000e+00> : vector<2000xf32>
    %reduce_sum3A_7 = vector.multi_reduction <add>, %integer_pow3A, %reduce_sum3A_6 [1] : vector<2000x300xf32> to vector<2000xf32>
    %broadcast_in_dim3A_8 = vector.shape_cast %reduce_sum3A_7 : vector<2000xf32> to vector<2000x1xf32>
    %div3A_9 = arith.constant 3.000000e+02 : f32
    %div3A_10 = vector.broadcast %div3A_9 : f32 to vector<2000x1xf32>
    %div3A_11 = arith.divf %broadcast_in_dim3A_8, %div3A_10 : vector<2000x1xf32>
    %get3A_12 = arith.constant 0 : index
    %get3A_13 = arith.constant 0 : index
    %get3A_14 = vector.load %arg2[%get3A_12, %get3A_13] : memref<1x300xf32, #tpu.memory_space<vmem>>, vector<1x300xf32>
    %sub3A_15 = vector.broadcast %div3A_4 : vector<2000x1xf32> to vector<2000x300xf32>
    %sub3A_16 = arith.subf %get3A_1, %sub3A_15 : vector<2000x300xf32>
    %add3A = arith.constant 9.99999996E-13 : f32
    %add3A_17 = vector.broadcast %add3A : f32 to vector<2000x1xf32>
    %add3A_18 = arith.addf %div3A_11, %add3A_17 : vector<2000x1xf32>
    %sqrt3A = math.sqrt %add3A_18 : vector<2000x1xf32>
    %div3A_19 = vector.broadcast %sqrt3A : vector<2000x1xf32> to vector<2000x300xf32>
    %div3A_20 = arith.divf %sub3A_16, %div3A_19 : vector<2000x300xf32>
    %mul3A = vector.broadcast %get3A_14 : vector<1x300xf32> to vector<2000x300xf32>
    %mul3A_21 = arith.mulf %mul3A, %div3A_20 : vector<2000x300xf32>
    %get3A_22 = arith.constant 0 : index
    %get3A_23 = arith.constant 0 : index
    %get3A_24 = vector.load %arg3[%get3A_22, %get3A_23] : memref<1x300xf32, #tpu.memory_space<vmem>>, vector<1x300xf32>
    %add3A_25 = vector.broadcast %get3A_24 : vector<1x300xf32> to vector<2000x300xf32>
    %add3A_26 = arith.addf %mul3A_21, %add3A_25 : vector<2000x300xf32>
    %jit3A = arith.constant 0 : i32
    %convert_element_type3A = arith.sitofp %jit3A : i32 to f32
    %pad3A = vector.broadcast %convert_element_type3A : f32 to vector<2000x84xf32>
    %pad3A_27 = tpu.concatenate %add3A_26, %pad3A in 1 : vector<2000x300xf32>, vector<2000x84xf32> -> vector<2000x384xf32>
    %swap3A = arith.constant 0 : index
    %swap3A_28 = arith.constant 0 : index
    %swap3A_29 = vector.load %arg4[%swap3A, %swap3A_28] : memref<2000x384xf32, #tpu.memory_space<vmem>>, vector<2000x384xf32>
    tpu.vector_store %arg4[%swap3A, %swap3A_28], %pad3A_27 {strides = array<i32>} : memref<2000x384xf32, #tpu.memory_space<vmem>>, vector<2000x384xf32>,
    return
  }
  func.func @transform_0(%arg0: i32) -> (i32, i32) {
    %c0_i32 = arith.constant 0 : i32
    %c0_i32_0 = arith.constant 0 : i32
    return %arg0, %c0_i32 : i32, i32
  }
  func.func @transform_1(%arg0: i32) -> (i32, i32) {
    %c0_i32 = arith.constant 0 : i32
    %c0_i32_0 = arith.constant 0 : i32
    %c0_i32_1 = arith.constant 0 : i32
    return %c0_i32, %c0_i32_0 : i32, i32
  }
  func.func @transform_2(%arg0: i32) -> (i32, i32) {
    %c0_i32 = arith.constant 0 : i32
    %c0_i32_0 = arith.constant 0 : i32
    %c0_i32_1 = arith.constant 0 : i32
    return %c0_i32, %c0_i32_0 : i32, i32
  }
  func.func @transform_3(%arg0: i32) -> (i32, i32) {
    %c0_i32 = arith.constant 0 : i32
    %c0_i32_0 = arith.constant 0 : i32
    return %arg0, %c0_i32 : i32, i32
  }
}

</mosaic_0001>

<sc_bundles>
// kernel: kernel.4.cloned.1.call-start
scs
__scs_entry_jumppad:
0x0: {  	(pc) =	sbr.rel $0x88, $3  }
0x1: {  	(tag) =	ssettag $0x0;
	lr =	simm.s32 $0x1  }
0x2: {  	[smem:$0x3F9D] =	sst lr;
	_ =	strace $0xD0000000  }
0x3: {  	_ = 	snop  }
0x4: {  	_ = 	snop  }
0x5: {  	_ = 	snop  }
0x6: {  	_ = 	snop  }
0x7: {  	_ = 	snop  }
__scs_overlays_trampoline_lowered:
0x8: {  	[smem:$0x3FAC] =	sst s0  }
0x9: {  	[smem:$0x3FAD] =	sst s1  }
0xa: {  	[smem:$0x3FAE] =	sst s2  }
0xb: {  	[smem:$0x3FAF] =	sst s3  }
0xc: {  	[smem:$0x3FB0] =	sst s4  }
0xd: {  	[smem:$0x3FB1] =	sst s5  }
0xe: {  	[smem:$0x3FB2] =	sst s6  }
0xf: {  	[smem:$0x3FB3] =	sst s7  }
0x10: {  	[smem:$0x3FB4] =	sst s8  }
0x11: {  	[smem:$0x3FB5] =	sst s9;
	s0 =	simm.s32 @!p0 $0x0  }
0x12: {  	s1 =	sld [smem:$0x3F9B];
	s0 =	simm.s32 @p0 $0x1  }
0x13: {  	[smem:$0x3FB6] =	sst s0;
	s0 =	simm.s32 @!p1 $0x0  }
0x14: {  	s2 =	sld [smem:$0x3F9A];
	s0 =	simm.s32 @p1 $0x1  }
0x15: {  	[smem:$0x3FB7] =	sst s0;
	s0 =	simm.s32 @!p2 $0x0  }
0x16: {  	s3 =	sld [smem:$0x3FDB];
	s0 =	simm.s32 @p2 $0x1  }
0x17: {  	s4 =	simm.s32 $0x1BF5;
	[smem:$0x3FB9] =	sst s0  }
0x18: {  	s0 =	sld [smem:$0x3F9C];
	_ =	swait.ge [sflag:s4], $0x0  }
0x19: {  	s7 =	sld [smem:$0x3F9D]  }
0x1a: {  	s8 =	sadd.s32 $0xFFFFE003, lr  }
0x1b: {  	s9 =	sadd.s32 $0xFFFFFEF7, lr;
	s5 =	simm.s32 $0xFFFFFFFF;
	p2 =	slt.u32 s8, $0xFFFFF086  }
0x1c: {  	p1 =	slt.u32 s9, $0xF7A;
	s5 =	simm.s32 @!p2 $0x0  }
0x1d: {  	s5 =	simm.s32 @p1 $0x1;
	p0 =	seq.s32 s7, s2  }
0x1e: {  	s7 =	smul.u32 @!p0 $0xF7A, s2;
	p2 =	seq.s32 @!p0 s5, $0x0  }
0x1f: {  	s9 =	smul.u32 $0xF7A, s1;
	s8 =	simm.s32 @!p0 $0x1BF5;
	p2 =	por !p2, p0  }
0x20: {  	[sflag:s8] =	ssyncset.s32 @!p0 $0xFFFFF086;
	s6 =	sadd.s32 @!p0 s3, s7;
	s7 =	simm.s32 @!p0 $0x108  }
0x21: {  	s3 =	sadd.s32 s3, s9;
	s6 =	sadd.s32 @!p0 $0x88, s6;
	s7 =	simm.s32 @p2 $0x1082  }
0x22: {  	[simem:s7], [sflag:s8] =	dma.local @!p0 [hbm:s6], $0xF7A  }
0x23: {  	s9 =	sor.u32 $0xD0000000, s2;
	s6 =	simm.s32 $0x108;
	_ =	swait.ge @!p0 [sflag:s8], $0x0  }
0x24: {  	s3 =	sadd.s32 $0x88, s3;
	s6 =	simm.s32 @!p1 $0x1082;
	[sflag:s4] =	ssyncset.s32 $0xFFFFF086  }
0x25: {  	[simem:s6], [sflag:s4] =	dma.local [hbm:s3], $0xF7A  }
0x26: {  	[smem:$0x3F9D] =	sst s1;
	(tag) =	ssettag s2;
	_ =	strace s9  }
0x27: {  	s1 =	sld [smem:$0x3FAD]  }
0x28: {  	s2 =	sld [smem:$0x3FAE]  }
0x29: {  	s4 =	sld [smem:$0x3FB0]  }
0x2a: {  	p0 =	seq.s32 s5, $0x0;
	s5 =	sld [smem:$0x3FB1]  }
0x2b: {  	s6 =	sld [smem:$0x3FB2]  }
0x2c: {  	s7 =	sld [smem:$0x3FB3]  }
0x2d: {  	s3 =	simm.s32 $0x108;
	s8 =	sld [smem:$0x3FB4]  }
0x2e: {  	s3 =	simm.s32 @!p0 $0x1082;
	s9 =	sld [smem:$0x3FB5]  }
0x2f: {  	lr =	sadd.s32 s0, s3;
	s0 =	sld [smem:$0x3FAC]  }
0x30: {  	s3 =	sld [smem:$0x3FAF]  }
0x31: {  	[smem:$0x3FB8] =	sst s10  }
0x32: {  	s10 =	sld [smem:$0x3FB6];
	_ =	sdelay $0x3  }
0x33: {  	p0 =	seq.s32 s10, $0x1;
	s10 =	sld [smem:$0x3FB8];
	_ =	sdelay $0x3  }
0x34: {  	[smem:$0x3FB8] =	sst s10  }
0x35: {  	s10 =	sld [smem:$0x3FB7];
	_ =	sdelay $0x3  }
0x36: {  	p1 =	seq.s32 s10, $0x1;
	s10 =	sld [smem:$0x3FB8];
	_ =	sdelay $0x3  }
0x37: {  	[smem:$0x3FB8] =	sst s10  }
0x38: {  	s10 =	sld [smem:$0x3FB9]  }
0x39: {  	_ = 	snop;
	(pc) =	sbr.ind lr, $3  }
0x3a: {  	_ = 	snop  }
0x3b: {  	_ = 	snop  }
0x3c: {  	p2 =	seq.s32 s10, $0x1;
	s10 =	sld [smem:$0x3FB8]  }
0x3d: {  	_ =	shalt  }
0x3e: {  	_ =	shalt  }
0x3f: {  	_ =	shalt  }
0x40: {  	_ =	shalt  }
0x41: {  	_ =	shalt  }
0x42: {  	_ =	shalt  }
0x43: {  	_ =	shalt  }
0x44: {  	_ =	shalt  }
0x45: {  	_ =	shalt  }
0x46: {  	_ =	shalt  }
0x47: {  	_ =	shalt  }
0x48: {  	_ =	shalt  }
0x49: {  	_ =	shalt  }
0x4a: {  	_ =	shalt  }
0x4b: {  	_ =	shalt  }
0x4c: {  	_ =	shalt  }
0x4d: {  	_ =	shalt  }
0x4e: {  	_ =	shalt  }
0x4f: {  	_ =	shalt  }
0x50: {  	_ =	shalt  }
0x51: {  	_ =	shalt  }
0x52: {  	_ =	shalt  }
0x53: {  	_ =	shalt  }
0x54: {  	_ =	shalt  }
0x55: {  	_ =	shalt  }
0x56: {  	_ =	shalt  }
0x57: {  	_ =	shalt  }
0x58: {  	_ =	shalt  }
0x59: {  	_ =	shalt  }
0x5a: {  	_ =	shalt  }
0x5b: {  	_ =	shalt  }
0x5c: {  	_ =	shalt  }
0x5d: {  	_ =	shalt  }
0x5e: {  	_ =	shalt  }
0x5f: {  	_ =	shalt  }
0x60: {  	_ =	shalt  }
0x61: {  	_ =	shalt  }
0x62: {  	_ =	shalt  }
0x63: {  	_ =	shalt  }
0x64: {  	_ =	shalt  }
0x65: {  	_ =	shalt  }
0x66: {  	_ =	shalt  }
0x67: {  	_ =	shalt  }
0x68: {  	_ =	shalt  }
0x69: {  	_ =	shalt  }
0x6a: {  	_ =	shalt  }
0x6b: {  	_ =	shalt  }
0x6c: {  	_ =	shalt  }
0x6d: {  	_ =	shalt  }
0x6e: {  	_ =	shalt  }
0x6f: {  	_ =	shalt  }
0x70: {  	_ =	shalt  }
0x71: {  	_ =	shalt  }
0x72: {  	_ =	shalt  }
0x73: {  	_ =	shalt  }
0x74: {  	_ =	shalt  }
0x75: {  	_ =	shalt  }
0x76: {  	_ =	shalt  }
0x77: {  	_ =	shalt  }
0x78: {  	_ =	shalt  }
0x79: {  	_ =	shalt  }
0x7a: {  	_ =	shalt  }
0x7b: {  	_ =	shalt  }
0x7c: {  	_ =	shalt  }
0x7d: {  	_ =	shalt  }
0x7e: {  	_ =	shalt  }
0x7f: {  	_ =	shalt  }
0x80: {  	_ =	shalt  }
0x81: {  	_ =	shalt  }
0x82: {  	_ =	shalt  }
0x83: {  	_ =	shalt  }
0x84: {  	_ =	shalt  }
0x85: {  	_ =	shalt  }
0x86: {  	_ =	shalt  }
0x87: {  	_ =	shalt  }
.Lfunc_end0:
.L_simem_size_0:
called_computation.1_lowered:
.L_overlay_start_0:
0x88: {  	s2 =	sld [smem:$0x3FD9]  }
0x89: {  	s3 =	sld [smem:$0x3FFE];
	_ =	sdelay $0x1  }
0x8a: {  	s1 =	srdreg.scid  }
0x8b: {  	s0 =	sand.u32 $0x1, s1  }
0x8c: {  	s16 =	sshll.u32 s0, $0xA;
	s2 =	sadd.s32 s3, s2  }
0x8d: {  	s2 =	sadd.s32 s2, s16  }
0x8e: {  	[smem:$0x3FC4] =	sst s2  }
0x8f: {  	_ = 	snop  }
0x90: {  	(tm) =	ssettm $0x1  }
0x91: {  	s17 =	sld [smem:$0x3FFB];
	_ =	sdelay $0x3  }
0x92: {  	_ =	strace s17  }
0x93: {  	s2 =	sld [smem:$0x3FFC];
	_ =	sdelay $0x3  }
0x94: {  	_ =	strace s2  }
0x95: {  	s2 =	sld [smem:$0x3FFD];
	_ =	sdelay $0x3  }
0x96: {  	_ =	strace s2  }
0x97: {  	_ =	strace $0x8FFFFFFF  }
0x98: {  	s18 =	sld [smem:$0x3FDB];
	_ =	sdelay $0x1  }
0x99: {  	s19 =	simm.s32 $_scs_section_size  }
0x9a: {  	s4 =	simm.s32 $_size__tile_overlayer_lowered;
	s5 =	simm.s32 $_tile_overlayer_lowered  }
0x9b: {  	s22 =	simm.s32 $0x1BFF;
	s21 =	sshll.u32 s5, $0x1;
	s2 =	sadd.s32 s19, s18  }
0x9c: {  	s6 =	simm.s32 $0x0;
	s20 =	sshll.u32 s4, $0x1;
	s4 =	sadd.s32 s21, s2  }
0x9d: {  	[timem:s6], [sflag:s22] =	dma.local [hbm:s4], s20  }
0x9e: {  	_ =	swait.ge [sflag:s22], s20  }
0x9f: {  	s3 =	ssub.s32 $0x0, s20;
	[sflag:s22] =	ssyncset.done $0x0  }
0xa0: {  	[sflag:s22] =	ssyncadd.s32 s3;
	_ =	sdelay $0x1  }
0xa1: {  	s23 =	simm.s32 $0x1B8B  }
0xa2: {  	_ =	swait.ge [sflag:s23], $0x1  }
0xa3: {  	[sflag:s23] =	ssyncset.done $0x0  }
0xa4: {  	s25 =	simm.s32 $0x1B8E;
	s24 =	sld [smem:$0x3FFE];
	[sflag:s23] =	ssyncadd.s32 $0xFFFFFFFF  }
0xa5: {  	s26 =	simm.s32 $execute0_lowered;
	[smem:$0x3FD2] =	sst s25  }
0xa6: {  	s4 =	sshll.u32 s26, $0x1;
	_ =	strace $0x80000046;
	[dreg:$0x1] =	wrdreg $0xFFFFFFFF  }
0xa7: {  	s28 =	simm.s32 $_size_execute0_lowered;
	s2 =	sadd.s32 s2, s4;
	[dreg:$0x0] =	wrdreg $0x0  }
0xa8: {  	s4 =	sshll.u32 s28, $0x1;
	[dreg:$0x2] =	wrdreg s2  }
0xa9: {  	[dreg:$0x3] =	wrdreg s4  }
0xaa: {  	[dreg:$0x4] =	wrdreg $0xC0  }
0xab: {  	_ =	task [dreg:s6], $0x5FFFF  }
0xac: {  	[dreg:$0x1] =	wrdreg $0xFFFFFFFF  }
0xad: {  	[dreg:$0x0] =	wrdreg $0x60  }
0xae: {  	[dreg:$0x2] =	wrdreg s24  }
0xaf: {  	[dreg:$0x3] =	wrdreg $0x9  }
0xb0: {  	_ =	task.clear_ibuf [dreg:s6], $0x4FFFF;
	_ =	strace $0x90000046  }
0xb1: {  	s29 =	simm.s32 $0x9;
	_ =	strace $0x80000048  }
0xb2: {  	_ =	swait.ge [sflag:s29], $0x1  }
0xb3: {  	[sflag:s29] =	ssyncadd.s32 $0xFFFFFFFF  }
0xb4: {  	_ =	strace $0x90000048  }
0xb5: {  	_ =	sfence  }
0xb6: {  	s30 =	sld [smem:$0x0];
	_ =	sdelay $0x2  }
0xb7: {  	s31 =	sshll.u32 s1, $0xD;
	s1 =	sshrl.u32 s1, $0x2  }
0xb8: {  	s3 =	sand.u32 $0x4000, s31;
	s1 =	sadd.s32 s1, s30  }
0xb9: {  	s0 =	sor.u32 s3, s0;
	s1 =	sshll.u32 s1, $0x11  }
0xba: {  	s0 =	sor.u32 s1, s0  }
0xbb: {  	s0 =	sadd.s32 $0x8F2B, s0  }
0xbc: {  	[sflag:s0] =	ssyncadd.remote.s32 $0x1  }
0xbd: {  	_ =	sfence.sel $0xFFFF  }
0xbe: {  	[dreg:$0x0] =	wrdreg $0xFFFFFFFF;
	(pc) =	sbr.abs _section_cstart, $3  }
0xbf: {  	[dreg:$0x1] =	wrdreg $0xFFFFFFFF  }
0xc0: {  	_ =	task.clear_ibuf [dreg:s6], $0x2FFFF;
	_ =	strace $0x9FFFFFFF  }
0xc1: {  	(tm) =	ssettm $0x7FFFFFFF  }
tec
execute0_lowered:
.L_overlay_start_1:
0x0: {  	(tag) =	ssettag $0x1  }
0x1: {  	s0 =	srdreg.scid  }
0x2: {  	s1 =	rddreg [dreg:$0x0];
	s4 =	stileid.u32;
	s2 =	simm.s32 $0x0  }
0x3: {  	s10 =	simm.s32 $0xC400;
	s11 =	simm.s32 $0xCC00;
	s12 =	simm.s32 $0xD000  }
0x4: {  	s13 =	simm.s32 $0xD800;
	s14 =	simm.s32 $0xDC00;
	s15 =	simm.s32 $0xE400  }
0x5: {  	s16 =	simm.s32 $0xE800;
	s17 =	simm.s32 $0xF000;
	s0 =	sand.u32 $0x1, s0  }
0x6: {  	s18 =	simm.s32 $0x1;
	s19 =	simm.s32 $0xF400;
	s3 =	sshll.u32 s0, $0x4  }
0x7: {  	s20 =	simm.s32 $0x2;
	s21 =	simm.s32 $0x15400;
	s5 =	sor.u32 s4, s3  }
0x8: {  	[smem:$0x7FF] =	sst s2;
	s0 =	ssub.s32 $0x2, s0;
	s4 =	smul.u32 $0x680, s5  }
.Ltmp0:
0x9: {  	_ =	strace $0x80000047;
	s7 =	sshrl.u32 s0, $0x1;
	(pc) =	sbr.rel .LBB2_1-.Ltmp0, $4  }
0xa: {  	s3 =	sadd.s32 $0xD800, s1;
	s5 =	smul.u32 $0x1900, s5;
	s0 =	ssub.s32 s0, s7  }
0xb: {  	v2 =	vlaneseq.u32;
	s7 =	sadd.s32 $0xD900, s1;
	s0 =	smax.u32 s0, $0x1;
	s6 =	sadd.s32 s4, s1  }
0xc: {  	vm0 =	vmmov $0xffff;
	vm1 =	vmmov $0xff;
	v1 =	vshrl.u32 v2, $0x3;
	s4 =	sadd.s32 $0xF7E00, s1;
	[dreg:$0x3] =	wrdreg s0;
	s6 =	sadd.s32 $0x800, s6  }
0xd: {  	v0 =	vand.u32 $0x7, v2;
	v2 =	vor.u32 $0x8, v2;
	v1 =	vmul.u32 $0x8, v1;
	s8 =	sor.u32 $0x40, s5;
	[dreg:$0x2] =	wrdreg s6;
	s6 =	simm.s32 $0x0  }
.LBB2_11:
0xe: {  	s0 =	simm.s32 $0x3  }
0xf: {  	_ =	swait.ge [sflag:s0], $0x6000  }
0x10: {  	[sflag:s0] =	ssyncset.done $0x0  }
0x11: {  	s1 =	simm.s32 $0x4;
	[sflag:s0] =	ssyncadd.s32 $0xFFFFA000  }
0x12: {  	_ =	swait.ge [sflag:s1], $0x6000  }
0x13: {  	s6 =	rddreg [dreg:$0x4]  }
0x14: {  	s31 =	rddreg [dreg:$0x3];
	s6 =	sadd.s32 $0x1, s6  }
0x15: {  	p0 =	sne.s32 s6, s31  }
.Ltmp1:
0x16: {  	_ = 	snop;
	(pc) =	sbr.rel @!p0 .LBB2_12-.Ltmp1, $3  }
0x17: {  	_ =	sdelay $0x1  }
0x18: {  	[sflag:s1] =	ssyncset.done $0x0  }
0x19: {  	[sflag:s1] =	ssyncadd.s32 $0xFFFFA000  }
.LBB2_1:
0x1a: {  	[dreg:$0x4] =	wrdreg s6  }
0x1b: {  	s0 =	rddreg [dreg:$0x2];
	s31 =	simm.s32 $0x5  }
0x1c: {  	[tilespmem:s2], [sflag:$0x5] =	stream.linear.gather [hbm4b:s0+s2], $0x3200, $0x38;
	[tilespmem:$0x1B400] =	vst v63  }
0x1d: {  	_ =	swait.ge [sflag:s31], $0x3200  }
0x1e: {  	[sflag:s31] =	ssyncset.done $0x0  }
0x1f: {  	[sflag:s31] =	ssyncadd.s32 $0xFFFFCE00  }
0x20: {  	v3 =	vld [tilespmem:$0x0];
	_ =	sdelay $0x4  }
0x21: {  	v4 =	vshrl.u32 v3, $0x3  }
0x22: {  	v4 =	vmul.u32 $0x18, v4  }
0x23: {  	v3 =	vand.u32 $0x7, v3  }
0x24: {  	v3 =	vor.u32 v3, v4  }
0x25: {  	v4 =	vperm.xlane v3, v0;
	_ =	sdelay $0x1  }
0x26: {  	v4 =	vadd.s32 v1, v4;
	_ =	sdelay $0x1  }
0x27: {  	v3 =	vperm.xlane v3, v2;
	_ =	sdelay $0x1  }
0x28: {  	s1 =	simm.s32 $0x3400;
	v3 =	vadd.s32 v1, v3  }
0x29: {  	[tilespmem:s1], [sflag:$0x1] =	stream.indirect_vreg.gather [hbm4b:s3+s2], $0x80, v4, vm0, $0xb8;
	[tilespmem:$0x1B400] =	vst v63  }
0x2a: {  	s6 =	simm.s32 $0x3C00  }
0x2b: {  	[tilespmem:s6], [sflag:$0x1] =	stream.indirect_vreg.gather [hbm4b:s7+s2], $0x80, v4, vm1, $0xb8;
	[tilespmem:$0x1B400] =	vst v63  }
0x2c: {  	s9 =	simm.s32 $0x4000  }
0x2d: {  	[tilespmem:s9], [sflag:$0x1] =	stream.indirect_vreg.gather [hbm4b:s3+s2], $0x80, v3, vm0, $0xb8;
	[tilespmem:$0x1B400] =	vst v63  }
0x2e: {  	s22 =	simm.s32 $0x4800  }
0x2f: {  	[tilespmem:s22], [sflag:$0x1] =	stream.indirect_vreg.gather [hbm4b:s7+s2], $0x80, v3, vm1, $0xb8;
	[tilespmem:$0x1B400] =	vst v63  }
0x30: {  	v3 =	vld [tilespmem:$0x10];
	_ =	sdelay $0x4  }
0x31: {  	v57 =	vshrl.u32 v3, $0x3  }
0x32: {  	v4 =	vmul.u32 $0x18, v57  }
0x33: {  	v3 =	vand.u32 $0x7, v3  }
0x34: {  	v3 =	vor.u32 v3, v4  }
0x35: {  	v4 =	vperm.xlane v3, v0;
	_ =	sdelay $0x1  }
0x36: {  	v4 =	vadd.s32 v1, v4;
	_ =	sdelay $0x1  }
0x37: {  	v3 =	vperm.xlane v3, v2;
	_ =	sdelay $0x1  }
0x38: {  	s23 =	simm.s32 $0x4C00;
	v3 =	vadd.s32 v1, v3  }
0x39: {  	[tilespmem:s23], [sflag:$0x1] =	stream.indirect_vreg.gather [hbm4b:s3+s2], $0x80, v4, vm0, $0xb8;
	[tilespmem:$0x1B400] =	vst v63  }
0x3a: {  	s24 =	simm.s32 $0x5400  }
0x3b: {  	[tilespmem:s24], [sflag:$0x1] =	stream.indirect_vreg.gather [hbm4b:s7+s2], $0x80, v4, vm1, $0xb8;
	[tilespmem:$0x1B400] =	vst v63  }
0x3c: {  	s25 =	simm.s32 $0x5800  }
0x3d: {  	[tilespmem:s25], [sflag:$0x1] =	stream.indirect_vreg.gather [hbm4b:s3+s2], $0x80, v3, vm0, $0xb8;
	[tilespmem:$0x1B400] =	vst v63  }
0x3e: {  	s26 =	simm.s32 $0x6000  }
0x3f: {  	[tilespmem:s26], [sflag:$0x1] =	stream.indirect_vreg.gather [hbm4b:s7+s2], $0x80, v3, vm1, $0xb8;
	[tilespmem:$0x1B400] =	vst v63  }
0x40: {  	v3 =	vld [tilespmem:$0x20];
	_ =	sdelay $0x4  }
0x41: {  	v58 =	vshrl.u32 v3, $0x3  }
0x42: {  	v4 =	vmul.u32 $0x18, v58  }
0x43: {  	v3 =	vand.u32 $0x7, v3  }
0x44: {  	v3 =	vor.u32 v3, v4  }
0x45: {  	v4 =	vperm.xlane v3, v0;
	_ =	sdelay $0x1  }
0x46: {  	v4 =	vadd.s32 v1, v4;
	_ =	sdelay $0x1  }
0x47: {  	v3 =	vperm.xlane v3, v2;
	_ =	sdelay $0x1  }
0x48: {  	s28 =	simm.s32 $0x6400;
	v3 =	vadd.s32 v1, v3  }
0x49: {  	[tilespmem:s28], [sflag:$0x1] =	stream.indirect_vreg.gather [hbm4b:s3+s2], $0x80, v4, vm0, $0xb8;
	[tilespmem:$0x1B400] =	vst v63  }
0x4a: {  	s29 =	simm.s32 $0x6C00  }
0x4b: {  	[tilespmem:s29], [sflag:$0x1] =	stream.indirect_vreg.gather [hbm4b:s7+s2], $0x80, v4, vm1, $0xb8;
	[tilespmem:$0x1B400] =	vst v63  }
0x4c: {  	s30 =	simm.s32 $0x7000  }
0x4d: {  	[tilespmem:s30], [sflag:$0x1] =	stream.indirect_vreg.gather [hbm4b:s3+s2], $0x80, v3, vm0, $0xb8;
	[tilespmem:$0x1B400] =	vst v63  }
0x4e: {  	s31 =	simm.s32 $0x7800  }
0x4f: {  	[tilespmem:s31], [sflag:$0x1] =	stream.indirect_vreg.gather [hbm4b:s7+s2], $0x80, v3, vm1, $0xb8;
	[tilespmem:$0x1B400] =	vst v63  }
0x50: {  	v3 =	vld [tilespmem:$0x30];
	_ =	sdelay $0x4  }
0x51: {  	v59 =	vshrl.u32 v3, $0x3  }
0x52: {  	v4 =	vmul.u32 $0x18, v59  }
0x53: {  	v3 =	vand.u32 $0x7, v3  }
0x54: {  	v3 =	vor.u32 v3, v4  }
0x55: {  	v4 =	vperm.xlane v3, v0;
	_ =	sdelay $0x1  }
0x56: {  	v4 =	vadd.s32 v1, v4;
	_ =	sdelay $0x1  }
0x57: {  	v3 =	vperm.xlane v3, v2;
	_ =	sdelay $0x1  }
0x58: {  	s1 =	simm.s32 $0x7C00;
	v3 =	vadd.s32 v1, v3  }
0x59: {  	[tilespmem:s1], [sflag:$0x1] =	stream.indirect_vreg.gather [hbm4b:s3+s2], $0x80, v4, vm0, $0xb8;
	[tilespmem:$0x1B400] =	vst v63  }
0x5a: {  	s6 =	simm.s32 $0x8400  }
0x5b: {  	[tilespmem:s6], [sflag:$0x1] =	stream.indirect_vreg.gather [hbm4b:s7+s2], $0x80, v4, vm1, $0xb8;
	[tilespmem:$0x1B400] =	vst v63  }
0x5c: {  	s9 =	simm.s32 $0x8800  }
0x5d: {  	[tilespmem:s9], [sflag:$0x1] =	stream.indirect_vreg.gather [hbm4b:s3+s2], $0x80, v3, vm0, $0xb8;
	[tilespmem:$0x1B400] =	vst v63  }
0x5e: {  	s22 =	simm.s32 $0x9000  }
0x5f: {  	[tilespmem:s22], [sflag:$0x1] =	stream.indirect_vreg.gather [hbm4b:s7+s2], $0x80, v3, vm1, $0xb8;
	[tilespmem:$0x1B400] =	vst v63  }
0x60: {  	v3 =	vld [tilespmem:$0x80];
	_ =	sdelay $0x4  }
0x61: {  	v60 =	vshrl.u32 v3, $0x3  }
0x62: {  	v4 =	vmul.u32 $0x18, v60  }
0x63: {  	v3 =	vand.u32 $0x7, v3  }
0x64: {  	v3 =	vor.u32 v3, v4  }
0x65: {  	v4 =	vperm.xlane v3, v0;
	_ =	sdelay $0x1  }
0x66: {  	v4 =	vadd.s32 v1, v4;
	_ =	sdelay $0x1  }
0x67: {  	v3 =	vperm.xlane v3, v2;
	_ =	sdelay $0x1  }
0x68: {  	s23 =	simm.s32 $0x9400;
	v3 =	vadd.s32 v1, v3  }
0x69: {  	[tilespmem:s23], [sflag:$0x2] =	stream.indirect_vreg.gather [hbm4b:s3+s2], $0x80, v4, vm0, $0xb8;
	[tilespmem:$0x1B400] =	vst v63  }
0x6a: {  	s24 =	simm.s32 $0x9C00  }
0x6b: {  	[tilespmem:s24], [sflag:$0x2] =	stream.indirect_vreg.gather [hbm4b:s7+s2], $0x80, v4, vm1, $0xb8;
	[tilespmem:$0x1B400] =	vst v63  }
0x6c: {  	s25 =	simm.s32 $0xA000  }
0x6d: {  	[tilespmem:s25], [sflag:$0x2] =	stream.indirect_vreg.gather [hbm4b:s3+s2], $0x80, v3, vm0, $0xb8;
	[tilespmem:$0x1B400] =	vst v63  }
0x6e: {  	s26 =	simm.s32 $0xA800  }
0x6f: {  	[tilespmem:s26], [sflag:$0x2] =	stream.indirect_vreg.gather [hbm4b:s7+s2], $0x80, v3, vm1, $0xb8;
	[tilespmem:$0x1B400] =	vst v63  }
0x70: {  	v3 =	vld [tilespmem:$0x90];
	_ =	sdelay $0x4  }
0x71: {  	v61 =	vshrl.u32 v3, $0x3  }
0x72: {  	v4 =	vmul.u32 $0x18, v61  }
0x73: {  	v3 =	vand.u32 $0x7, v3  }
0x74: {  	v3 =	vor.u32 v3, v4  }
0x75: {  	v4 =	vperm.xlane v3, v0;
	_ =	sdelay $0x1  }
0x76: {  	v4 =	vadd.s32 v1, v4;
	_ =	sdelay $0x1  }
0x77: {  	v3 =	vperm.xlane v3, v2;
	_ =	sdelay $0x1  }
0x78: {  	s28 =	simm.s32 $0xAC00;
	v3 =	vadd.s32 v1, v3  }
0x79: {  	[tilespmem:s28], [sflag:$0x2] =	stream.indirect_vreg.gather [hbm4b:s3+s2], $0x80, v4, vm0, $0xb8;
	[tilespmem:$0x1B400] =	vst v63  }
0x7a: {  	s29 =	simm.s32 $0xB400  }
0x7b: {  	[tilespmem:s29], [sflag:$0x2] =	stream.indirect_vreg.gather [hbm4b:s7+s2], $0x80, v4, vm1, $0xb8;
	[tilespmem:$0x1B400] =	vst v63  }
0x7c: {  	s30 =	simm.s32 $0xB800  }
0x7d: {  	[tilespmem:s30], [sflag:$0x2] =	stream.indirect_vreg.gather [hbm4b:s3+s2], $0x80, v3, vm0, $0xb8;
	[tilespmem:$0x1B400] =	vst v63  }
0x7e: {  	s31 =	simm.s32 $0xC000  }
0x7f: {  	[tilespmem:s31], [sflag:$0x2] =	stream.indirect_vreg.gather [hbm4b:s7+s2], $0x80, v3, vm1, $0xb8;
	[tilespmem:$0x1B400] =	vst v63  }
0x80: {  	v3 =	vld [tilespmem:$0xA0];
	_ =	sdelay $0x4  }
0x81: {  	v62 =	vshrl.u32 v3, $0x3  }
0x82: {  	v4 =	vmul.u32 $0x18, v62  }
0x83: {  	v3 =	vand.u32 $0x7, v3  }
0x84: {  	v3 =	vor.u32 v3, v4  }
0x85: {  	v4 =	vperm.xlane v3, v0;
	_ =	sdelay $0x1  }
0x86: {  	v4 =	vadd.s32 v1, v4;
	_ =	sdelay $0x1  }
0x87: {  	v3 =	vperm.xlane v3, v2;
	_ =	sdelay $0x1  }
0x88: {  	v3 =	vadd.s32 v1, v3  }
0x89: {  	[tilespmem:s10], [sflag:$0x2] =	stream.indirect_vreg.gather [hbm4b:s3+s2], $0x80, v4, vm0, $0xb8;
	[tilespmem:$0x1B400] =	vst v63  }
0x8a: {  	_ = 	snop  }
0x8b: {  	[tilespmem:s11], [sflag:$0x2] =	stream.indirect_vreg.gather [hbm4b:s7+s2], $0x80, v4, vm1, $0xb8;
	[tilespmem:$0x1B400] =	vst v63  }
0x8c: {  	_ = 	snop  }
0x8d: {  	[tilespmem:s12], [sflag:$0x2] =	stream.indirect_vreg.gather [hbm4b:s3+s2], $0x80, v3, vm0, $0xb8;
	[tilespmem:$0x1B400] =	vst v63  }
0x8e: {  	_ = 	snop  }
0x8f: {  	[tilespmem:s13], [sflag:$0x2] =	stream.indirect_vreg.gather [hbm4b:s7+s2], $0x80, v3, vm1, $0xb8;
	[tilespmem:$0x1B400] =	vst v63  }
0x90: {  	v3 =	vld [tilespmem:$0xB0];
	_ =	sdelay $0x4  }
0x91: {  	v63 =	vshrl.u32 v3, $0x3  }
0x92: {  	v4 =	vmul.u32 $0x18, v63  }
0x93: {  	v3 =	vand.u32 $0x7, v3  }
0x94: {  	v3 =	vor.u32 v3, v4  }
0x95: {  	v4 =	vperm.xlane v3, v0;
	_ =	sdelay $0x1  }
0x96: {  	v4 =	vadd.s32 v1, v4;
	_ =	sdelay $0x2  }
0x97: {  	v3 =	vperm.xlane v3, v2;
	_ =	sdelay $0x1  }
0x98: {  	v3 =	vadd.s32 v1, v3;
	[tilespmem:s14], [sflag:$0x2] =	stream.indirect_vreg.gather [hbm4b:s3+s2], $0x80, v4, vm0, $0xb8;
	[tilespmem:$0x1B400] =	vst v63  }
0x99: {  	_ = 	snop  }
0x9a: {  	[tilespmem:s15], [sflag:$0x2] =	stream.indirect_vreg.gather [hbm4b:s7+s2], $0x80, v4, vm1, $0xb8;
	[tilespmem:$0x1B400] =	vst v63  }
.Ltmp2:
0x9b: {  	_ = 	snop;
	(pc) =	sbr.rel .LBB2_2-.Ltmp2, $4  }
0x9c: {  	_ = 	snop  }
0x9d: {  	[tilespmem:s16], [sflag:$0x2] =	stream.indirect_vreg.gather [hbm4b:s3+s2], $0x80, v3, vm0, $0xb8;
	[tilespmem:$0x1B400] =	vst v63  }
0x9e: {  	s22 =	simm.s32 $0x0  }
0x9f: {  	[tilespmem:s17], [sflag:$0x2] =	stream.indirect_vreg.gather [hbm4b:s7+s2], $0x80, v3, vm1, $0xb8;
	[tilespmem:$0x1B400] =	vst v63  }
.LBB2_10:
0xa0: {  	s22 =	sadd.s32 $0x1, s22  }
0xa1: {  	s0 =	sadd.s32 s24, s8;
	p0 =	sne.s32 s22, $0x32  }
.Ltmp3:
0xa2: {  	s0 =	sshrl.u32 s0, $0x3;
	(pc) =	sbr.rel @!p0 .LBB2_11-.Ltmp3, $3  }
0xa3: {  	s0 =	smul.u32 $0x180, s0;
	_ =	sdelay $0x1  }
0xa4: {  	s0 =	sadd.s32 s4, s0  }
0xa5: {  	[hbm4b:s0+s2] =	stream.linear.scatter [tilespmem:s21], [sflag:$0x4], $0x6000, $0x38;
	[tilespmem:$0x1B400] =	vst v63  }
.LBB2_2:
0xa6: {  	_ =	swait.ge [sflag:s18], $0x6000  }
0xa7: {  	p0 =	seq.s32 s22, $0x0;
	[sflag:s18] =	ssyncset.done $0x0  }
0xa8: {  	s1 =	simm.s32 $0x0;
	s0 =	simm.s32 @!p0 $0x3;
	[sflag:s18] =	ssyncadd.s32 $0xFFFFA000  }
0xa9: {  	s24 =	simm.s32 $0x0;
	s1 =	smul.u32 $0xC00, s1;
	_ =	swait.ge @!p0 [sflag:s0], $0x6000  }
0xaa: {  	s6 =	sand.u32 $0x300, s24;
	[sflag:s0] =	ssyncset.done @!p0 $0x0  }
0xab: {  	s30 =	sor.u32 s6, s1;
	s9 =	sadd.s32 $0x800, s1;
	[sflag:s0] =	ssyncadd.s32 @!p0 $0xFFFFA000  }
0xac: {  	s23 =	sor.u32 s6, s9;
	v3 =	vld [tilespmem:s30+$0x3460]  }
0xad: {  	v4 =	vld.msk [tilespmem:s23+$0x3420], $0xfff  }
0xae: {  	v5 =	vld [tilespmem:s30+$0x3450]  }
0xaf: {  	v6 =	vld [tilespmem:s30+$0x3470]  }
0xb0: {  	s25 =	sadd.s32 $0x400, s1;
	v7 =	vld [tilespmem:s23+$0x3410]  }
0xb1: {  	s26 =	sor.u32 s6, s25;
	v8 =	vld [tilespmem:s23+$0x3400]  }
0xb2: {  	v9 =	vld [tilespmem:s26+$0x3470]  }
0xb3: {  	v10 =	vld [tilespmem:s26+$0x3460]  }
0xb4: {  	v11 =	vld [tilespmem:s30+$0x3410]  }
0xb5: {  	v12 =	vld [tilespmem:s26+$0x3400]  }
0xb6: {  	v13 =	vld [tilespmem:s26+$0x3450]  }
0xb7: {  	v14 =	vld [tilespmem:s30+$0x3400]  }
0xb8: {  	v15 =	vld [tilespmem:s26+$0x3440]  }
0xb9: {  	v16 =	vld [tilespmem:s26+$0x3410]  }
0xba: {  	v17 =	vld [tilespmem:s26+$0x3420]  }
0xbb: {  	v18 =	vld [tilespmem:s26+$0x3430]  }
0xbc: {  	v19 =	vld [tilespmem:s30+$0x3440];
	[tilespmem:s30+$0xF460] =	vst v3  }
0xbd: {  	[tilespmem:s30+$0xF470] =	vst v6  }
0xbe: {  	v3 =	vld [tilespmem:s30+$0x3420];
	[tilespmem:s30+$0xF450] =	vst v5  }
0xbf: {  	v5 =	vld [tilespmem:s30+$0x3430];
	[tilespmem:s30+$0xF400] =	vst v14  }
0xc0: {  	[tilespmem:s30+$0xF410] =	vst v11  }
0xc1: {  	[tilespmem:s30+$0xF440] =	vst v19  }
0xc2: {  	[tilespmem:s26+$0xF470] =	vst v9  }
0xc3: {  	[tilespmem:s30+$0xF420] =	vst v3  }
0xc4: {  	[tilespmem:s30+$0xF430] =	vst v5  }
0xc5: {  	[tilespmem:s26+$0xF400] =	vst v12  }
0xc6: {  	[tilespmem:s26+$0xF440] =	vst v15  }
0xc7: {  	[tilespmem:s26+$0xF410] =	vst v16  }
0xc8: {  	[tilespmem:s26+$0xF420] =	vst v17  }
0xc9: {  	[tilespmem:s26+$0xF430] =	vst v18  }
0xca: {  	[tilespmem:s26+$0xF450] =	vst v13  }
0xcb: {  	[tilespmem:s26+$0xF460] =	vst v10  }
0xcc: {  	[tilespmem:s23+$0xF400] =	vst v8  }
0xcd: {  	s31 =	sor.u32 $0x80, s6;
	[tilespmem:s23+$0xF410] =	vst v7  }
0xce: {  	s26 =	sor.u32 s31, s9;
	[tilespmem:s23+$0xF420] =	vst.msk $0xfff, v4  }
0xcf: {  	v3 =	vld.msk [tilespmem:s26+$0x3420], $0xfff  }
0xd0: {  	s28 =	sor.u32 s31, s25;
	v4 =	vld [tilespmem:s26+$0x3410]  }
0xd1: {  	s0 =	sor.u32 s1, s31;
	v10 =	vld [tilespmem:s28+$0x3410]  }
0xd2: {  	v11 =	vld [tilespmem:s0+$0x3410]  }
0xd3: {  	v5 =	vld [tilespmem:s26+$0x3400]  }
0xd4: {  	v6 =	vld [tilespmem:s28+$0x3440]  }
0xd5: {  	v7 =	vld [tilespmem:s28+$0x3470]  }
0xd6: {  	v12 =	vld [tilespmem:s0+$0x3420]  }
0xd7: {  	v13 =	vld [tilespmem:s0+$0x3450]  }
0xd8: {  	v14 =	vld [tilespmem:s0+$0x3400]  }
0xd9: {  	v15 =	vld [tilespmem:s0+$0x3430]  }
0xda: {  	v16 =	vld [tilespmem:s28+$0x3400]  }
0xdb: {  	v8 =	vld [tilespmem:s28+$0x3430]  }
0xdc: {  	v17 =	vld [tilespmem:s28+$0x3460]  }
0xdd: {  	v18 =	vld [tilespmem:s28+$0x3450]  }
0xde: {  	v9 =	vld [tilespmem:s28+$0x3420]  }
0xdf: {  	v19 =	vld [tilespmem:s0+$0x3440];
	[tilespmem:s0+$0xF430] =	vst v15  }
0xe0: {  	v62 =	vld [tilespmem:s0+$0x3460];
	[tilespmem:s0+$0xF450] =	vst v13  }
0xe1: {  	v63 =	vld [tilespmem:s0+$0x3470];
	[tilespmem:s0+$0xF400] =	vst v14  }
0xe2: {  	[tilespmem:s0+$0xF420] =	vst v12  }
0xe3: {  	[tilespmem:s0+$0xF410] =	vst v11  }
0xe4: {  	[tilespmem:s0+$0xF440] =	vst v19  }
0xe5: {  	[tilespmem:s0+$0xF460] =	vst v62  }
0xe6: {  	[tilespmem:s0+$0xF470] =	vst v63  }
0xe7: {  	[tilespmem:s28+$0xF460] =	vst v17  }
0xe8: {  	[tilespmem:s28+$0xF400] =	vst v16  }
0xe9: {  	[tilespmem:s28+$0xF410] =	vst v10  }
0xea: {  	s25 =	simm.s32 $0x0;
	s23 =	sshll.u32 s22, $0xA;
	[tilespmem:s28+$0xF450] =	vst v18  }
.LBB2_3:
0xeb: {  	s25 =	sadd.s32 $0x2, s25;
	[tilespmem:s28+$0xF470] =	vst v7;
	s24 =	sadd.s32 $0x100, s24  }
0xec: {  	s0 =	sshrl.u32 s25, $0x3;
	p1 =	slt.u32 s25, $0x3E;
	[tilespmem:s28+$0xF420] =	vst v9  }
0xed: {  	s29 =	smul.u32 $0xC00, s0;
	[tilespmem:s28+$0xF440] =	vst v6  }
0xee: {  	s9 =	sand.u32 $0x300, s24;
	[tilespmem:s28+$0xF430] =	vst v8  }
0xef: {  	s6 =	sor.u32 s9, s29;
	s28 =	sadd.s32 $0x400, s29;
	s31 =	sadd.s32 $0x800, s29;
	[tilespmem:s26+$0xF400] =	vst v5  }
0xf0: {  	s30 =	sor.u32 $0x80, s9;
	s1 =	sor.u32 s9, s28;
	s0 =	sor.u32 s9, s31;
	[tilespmem:s26+$0xF410] =	vst v4  }
0xf1: {  	[tilespmem:s26+$0xF420] =	vst.msk $0xfff, v3  }
0xf2: {  	v3 =	vld [tilespmem:s6+$0x3460]  }
0xf3: {  	v4 =	vld.msk [tilespmem:s0+$0x3420], $0xfff  }
0xf4: {  	v5 =	vld [tilespmem:s6+$0x3450]  }
0xf5: {  	v6 =	vld [tilespmem:s6+$0x3470]  }
0xf6: {  	v7 =	vld [tilespmem:s0+$0x3410]  }
0xf7: {  	v8 =	vld [tilespmem:s0+$0x3400]  }
0xf8: {  	v9 =	vld [tilespmem:s1+$0x3470]  }
0xf9: {  	v10 =	vld [tilespmem:s1+$0x3460]  }
0xfa: {  	v11 =	vld [tilespmem:s6+$0x3410]  }
0xfb: {  	v12 =	vld [tilespmem:s1+$0x3400]  }
0xfc: {  	v13 =	vld [tilespmem:s1+$0x3450]  }
0xfd: {  	v14 =	vld [tilespmem:s6+$0x3400]  }
0xfe: {  	v15 =	vld [tilespmem:s1+$0x3440]  }
0xff: {  	v16 =	vld [tilespmem:s1+$0x3410]  }
0x100: {  	v17 =	vld [tilespmem:s1+$0x3420]  }
0x101: {  	v18 =	vld [tilespmem:s1+$0x3430]  }
0x102: {  	v19 =	vld [tilespmem:s6+$0x3440];
	[tilespmem:s6+$0xF460] =	vst v3  }
0x103: {  	v3 =	vld [tilespmem:s6+$0x3430];
	[tilespmem:s6+$0xF470] =	vst v6  }
0x104: {  	v6 =	vld [tilespmem:s6+$0x3420];
	[tilespmem:s6+$0xF450] =	vst v5  }
0x105: {  	[tilespmem:s6+$0xF400] =	vst v14  }
0x106: {  	[tilespmem:s6+$0xF410] =	vst v11  }
0x107: {  	[tilespmem:s6+$0xF440] =	vst v19  }
0x108: {  	[tilespmem:s1+$0xF470] =	vst v9  }
0x109: {  	[tilespmem:s6+$0xF420] =	vst v6  }
0x10a: {  	[tilespmem:s6+$0xF430] =	vst v3  }
0x10b: {  	[tilespmem:s1+$0xF400] =	vst v12  }
0x10c: {  	[tilespmem:s1+$0xF440] =	vst v15  }
0x10d: {  	[tilespmem:s1+$0xF410] =	vst v16  }
0x10e: {  	[tilespmem:s1+$0xF420] =	vst v17  }
0x10f: {  	[tilespmem:s1+$0xF430] =	vst v18  }
0x110: {  	[tilespmem:s0+$0xF400] =	vst v8  }
0x111: {  	[tilespmem:s0+$0xF410] =	vst v7  }
0x112: {  	[tilespmem:s1+$0xF450] =	vst v13  }
0x113: {  	[tilespmem:s1+$0xF460] =	vst v10;
	_ =	sdelay $0x1  }
0x114: {  	s26 =	sor.u32 s30, s31;
	[tilespmem:s0+$0xF420] =	vst.msk $0xfff, v4  }
0x115: {  	v3 =	vld.msk [tilespmem:s26+$0x3420], $0xfff  }
0x116: {  	s28 =	sor.u32 s30, s28;
	v4 =	vld [tilespmem:s26+$0x3410]  }
0x117: {  	s0 =	sor.u32 s29, s30;
	v10 =	vld [tilespmem:s28+$0x3410]  }
0x118: {  	v11 =	vld [tilespmem:s0+$0x3410]  }
0x119: {  	v5 =	vld [tilespmem:s26+$0x3400]  }
0x11a: {  	v6 =	vld [tilespmem:s28+$0x3440]  }
0x11b: {  	v7 =	vld [tilespmem:s28+$0x3470]  }
0x11c: {  	v12 =	vld [tilespmem:s0+$0x3420]  }
0x11d: {  	v13 =	vld [tilespmem:s0+$0x3450]  }
0x11e: {  	v14 =	vld [tilespmem:s0+$0x3400]  }
0x11f: {  	v15 =	vld [tilespmem:s0+$0x3430]  }
0x120: {  	v16 =	vld [tilespmem:s28+$0x3400]  }
0x121: {  	v8 =	vld [tilespmem:s28+$0x3430]  }
0x122: {  	v17 =	vld [tilespmem:s28+$0x3460]  }
0x123: {  	v18 =	vld [tilespmem:s28+$0x3450]  }
0x124: {  	v9 =	vld [tilespmem:s28+$0x3420]  }
0x125: {  	v19 =	vld [tilespmem:s0+$0x3440];
	[tilespmem:s0+$0xF430] =	vst v15  }
0x126: {  	v15 =	vld [tilespmem:s0+$0x3460];
	[tilespmem:s0+$0xF450] =	vst v13  }
0x127: {  	v13 =	vld [tilespmem:s0+$0x3470];
	[tilespmem:s0+$0xF400] =	vst v14  }
0x128: {  	[tilespmem:s0+$0xF420] =	vst v12  }
0x129: {  	[tilespmem:s0+$0xF410] =	vst v11  }
0x12a: {  	[tilespmem:s0+$0xF440] =	vst v19  }
0x12b: {  	[tilespmem:s0+$0xF460] =	vst v15  }
.Ltmp4:
0x12c: {  	[tilespmem:s0+$0xF470] =	vst v13;
	(pc) =	sbr.rel @p1 .LBB2_3-.Ltmp4, $4  }
0x12d: {  	[tilespmem:s28+$0xF460] =	vst v17  }
0x12e: {  	[tilespmem:s28+$0xF400] =	vst v16  }
0x12f: {  	[tilespmem:s28+$0xF410] =	vst v10  }
0x130: {  	[tilespmem:s28+$0xF450] =	vst v18  }
0x131: {  	[tilespmem:s28+$0xF470] =	vst v7  }
0x132: {  	[tilespmem:s28+$0xF420] =	vst v9;
	p1 =	seq.s32 s22, $0x31  }
.Ltmp5:
0x133: {  	[tilespmem:s28+$0xF440] =	vst v6;
	(pc) =	sbr.rel @p1 .LBB2_6-.Ltmp5, $4  }
0x134: {  	[tilespmem:s28+$0xF430] =	vst v8  }
0x135: {  	[tilespmem:s26+$0xF400] =	vst v5  }
0x136: {  	[tilespmem:s26+$0xF410] =	vst v4  }
0x137: {  	[tilespmem:s26+$0xF420] =	vst.msk $0xfff, v3  }
0x138: {  	s0 =	sshrl.u32 s23, $0x2  }
0x139: {  	v3 =	vld [tilespmem:s0+$0x100];
	_ =	sdelay $0x4  }
0x13a: {  	v4 =	vshrl.u32 v3, $0x3  }
0x13b: {  	v4 =	vmul.u32 $0x18, v4  }
0x13c: {  	v3 =	vand.u32 $0x7, v3  }
0x13d: {  	v3 =	vor.u32 v3, v4  }
0x13e: {  	v4 =	vperm.xlane v3, v0;
	_ =	sdelay $0x1  }
0x13f: {  	v4 =	vadd.s32 v1, v4;
	_ =	sdelay $0x1  }
0x140: {  	v3 =	vperm.xlane v3, v2;
	_ =	sdelay $0x1  }
0x141: {  	s1 =	simm.s32 $0x3400;
	v3 =	vadd.s32 v1, v3  }
0x142: {  	[tilespmem:s1], [sflag:$0x1] =	stream.indirect_vreg.gather [hbm4b:s3+s2], $0x80, v4, vm0, $0xb8;
	[tilespmem:$0x1B400] =	vst v63  }
0x143: {  	s25 =	simm.s32 $0x3C00  }
0x144: {  	[tilespmem:s25], [sflag:$0x1] =	stream.indirect_vreg.gather [hbm4b:s7+s2], $0x80, v4, vm1, $0xb8;
	[tilespmem:$0x1B400] =	vst v63  }
0x145: {  	s26 =	simm.s32 $0x4000  }
0x146: {  	[tilespmem:s26], [sflag:$0x1] =	stream.indirect_vreg.gather [hbm4b:s3+s2], $0x80, v3, vm0, $0xb8;
	[tilespmem:$0x1B400] =	vst v63  }
0x147: {  	s28 =	simm.s32 $0x4800  }
0x148: {  	[tilespmem:s28], [sflag:$0x1] =	stream.indirect_vreg.gather [hbm4b:s7+s2], $0x80, v3, vm1, $0xb8;
	[tilespmem:$0x1B400] =	vst v63  }
0x149: {  	v3 =	vld [tilespmem:s0+$0x110];
	_ =	sdelay $0x4  }
0x14a: {  	v61 =	vshrl.u32 v3, $0x3  }
0x14b: {  	v4 =	vmul.u32 $0x18, v61  }
0x14c: {  	v3 =	vand.u32 $0x7, v3  }
0x14d: {  	v3 =	vor.u32 v3, v4  }
0x14e: {  	v4 =	vperm.xlane v3, v0;
	_ =	sdelay $0x1  }
0x14f: {  	v4 =	vadd.s32 v1, v4;
	_ =	sdelay $0x1  }
0x150: {  	v3 =	vperm.xlane v3, v2;
	_ =	sdelay $0x1  }
0x151: {  	s29 =	simm.s32 $0x4C00;
	v3 =	vadd.s32 v1, v3  }
0x152: {  	[tilespmem:s29], [sflag:$0x1] =	stream.indirect_vreg.gather [hbm4b:s3+s2], $0x80, v4, vm0, $0xb8;
	[tilespmem:$0x1B400] =	vst v63  }
0x153: {  	s30 =	simm.s32 $0x5400  }
0x154: {  	[tilespmem:s30], [sflag:$0x1] =	stream.indirect_vreg.gather [hbm4b:s7+s2], $0x80, v4, vm1, $0xb8;
	[tilespmem:$0x1B400] =	vst v63  }
0x155: {  	s31 =	simm.s32 $0x5800  }
0x156: {  	[tilespmem:s31], [sflag:$0x1] =	stream.indirect_vreg.gather [hbm4b:s3+s2], $0x80, v3, vm0, $0xb8;
	[tilespmem:$0x1B400] =	vst v63  }
0x157: {  	s6 =	simm.s32 $0x6000  }
0x158: {  	[tilespmem:s6], [sflag:$0x1] =	stream.indirect_vreg.gather [hbm4b:s7+s2], $0x80, v3, vm1, $0xb8;
	[tilespmem:$0x1B400] =	vst v63  }
0x159: {  	v3 =	vld [tilespmem:s0+$0x120];
	_ =	sdelay $0x4  }
0x15a: {  	v62 =	vshrl.u32 v3, $0x3  }
0x15b: {  	v4 =	vmul.u32 $0x18, v62  }
0x15c: {  	v3 =	vand.u32 $0x7, v3  }
0x15d: {  	v3 =	vor.u32 v3, v4  }
0x15e: {  	v4 =	vperm.xlane v3, v0;
	_ =	sdelay $0x1  }
0x15f: {  	v4 =	vadd.s32 v1, v4;
	_ =	sdelay $0x1  }
0x160: {  	v3 =	vperm.xlane v3, v2;
	_ =	sdelay $0x1  }
0x161: {  	s9 =	simm.s32 $0x6400;
	v3 =	vadd.s32 v1, v3  }
0x162: {  	[tilespmem:s9], [sflag:$0x1] =	stream.indirect_vreg.gather [hbm4b:s3+s2], $0x80, v4, vm0, $0xb8;
	[tilespmem:$0x1B400] =	vst v63  }
0x163: {  	s24 =	simm.s32 $0x6C00  }
0x164: {  	[tilespmem:s24], [sflag:$0x1] =	stream.indirect_vreg.gather [hbm4b:s7+s2], $0x80, v4, vm1, $0xb8;
	[tilespmem:$0x1B400] =	vst v63  }
0x165: {  	s25 =	simm.s32 $0x7000  }
0x166: {  	[tilespmem:s25], [sflag:$0x1] =	stream.indirect_vreg.gather [hbm4b:s3+s2], $0x80, v3, vm0, $0xb8;
	[tilespmem:$0x1B400] =	vst v63  }
0x167: {  	s26 =	simm.s32 $0x7800  }
0x168: {  	[tilespmem:s26], [sflag:$0x1] =	stream.indirect_vreg.gather [hbm4b:s7+s2], $0x80, v3, vm1, $0xb8;
	[tilespmem:$0x1B400] =	vst v63  }
0x169: {  	v3 =	vld [tilespmem:s0+$0x130];
	_ =	sdelay $0x4  }
0x16a: {  	v63 =	vshrl.u32 v3, $0x3  }
0x16b: {  	v4 =	vmul.u32 $0x18, v63  }
0x16c: {  	v3 =	vand.u32 $0x7, v3  }
0x16d: {  	v3 =	vor.u32 v3, v4  }
0x16e: {  	v4 =	vperm.xlane v3, v0;
	_ =	sdelay $0x1  }
0x16f: {  	v4 =	vadd.s32 v1, v4;
	_ =	sdelay $0x1  }
0x170: {  	v3 =	vperm.xlane v3, v2;
	_ =	sdelay $0x1  }
0x171: {  	s28 =	simm.s32 $0x7C00;
	v3 =	vadd.s32 v1, v3  }
0x172: {  	[tilespmem:s28], [sflag:$0x1] =	stream.indirect_vreg.gather [hbm4b:s3+s2], $0x80, v4, vm0, $0xb8;
	[tilespmem:$0x1B400] =	vst v63  }
0x173: {  	s29 =	simm.s32 $0x8400  }
0x174: {  	[tilespmem:s29], [sflag:$0x1] =	stream.indirect_vreg.gather [hbm4b:s7+s2], $0x80, v4, vm1, $0xb8;
	[tilespmem:$0x1B400] =	vst v63  }
0x175: {  	s30 =	simm.s32 $0x8800  }
0x176: {  	[tilespmem:s30], [sflag:$0x1] =	stream.indirect_vreg.gather [hbm4b:s3+s2], $0x80, v3, vm0, $0xb8;
	[tilespmem:$0x1B400] =	vst v63  }
0x177: {  	s31 =	simm.s32 $0x9000  }
0x178: {  	[tilespmem:s31], [sflag:$0x1] =	stream.indirect_vreg.gather [hbm4b:s7+s2], $0x80, v3, vm1, $0xb8;
	[tilespmem:$0x1B400] =	vst v63  }
.LBB2_6:
0x179: {  	s24 =	sshll.u32 s22, $0x7  }
0x17a: {  	s0 =	sadd.s32 s5, s24  }
0x17b: {  	s0 =	sshrl.u32 s0, $0x3  }
0x17c: {  	s0 =	smul.u32 $0x180, s0;
	_ =	sdelay $0x1  }
0x17d: {  	s0 =	sadd.s32 s4, s0  }
0x17e: {  	[hbm4b:s0+s2] =	stream.linear.scatter [tilespmem:s19], [sflag:$0x3], $0x6000, $0x38;
	[tilespmem:$0x1B400] =	vst v63  }
0x17f: {  	_ =	swait.ge [sflag:s20], $0x6000  }
0x180: {  	s26 =	simm.s32 $0x0;
	[sflag:s20] =	ssyncset.done $0x0  }
0x181: {  	s1 =	simm.s32 @!p0 $0x4;
	s0 =	smul.u32 $0xC00, s26;
	[sflag:s20] =	ssyncadd.s32 $0xFFFFA000  }
0x182: {  	s25 =	simm.s32 $0x0;
	_ =	swait.ge @!p0 [sflag:s1], $0x6000  }
0x183: {  	s6 =	sand.u32 $0x300, s25;
	s9 =	sadd.s32 $0x6400, s0;
	[sflag:s1] =	ssyncset.done @!p0 $0x0  }
0x184: {  	s30 =	sadd.s32 $0x6000, s0;
	s26 =	sor.u32 s6, s9;
	[sflag:s1] =	ssyncadd.s32 @!p0 $0xFFFFA000  }
0x185: {  	s28 =	sor.u32 s6, s30;
	v3 =	vld [tilespmem:s26+$0x3460]  }
0x186: {  	v4 =	vld [tilespmem:s28+$0x3450]  }
0x187: {  	v5 =	vld [tilespmem:s26+$0x3400]  }
0x188: {  	v6 =	vld [tilespmem:s26+$0x3440]  }
0x189: {  	v7 =	vld [tilespmem:s26+$0x3420]  }
0x18a: {  	v8 =	vld [tilespmem:s28+$0x3440]  }
0x18b: {  	s0 =	sadd.s32 $0x6800, s0;
	v9 =	vld [tilespmem:s28+$0x3410]  }
0x18c: {  	s29 =	sor.u32 s6, s0;
	v10 =	vld [tilespmem:s26+$0x3430]  }
0x18d: {  	v11 =	vld [tilespmem:s29+$0x3400]  }
0x18e: {  	v12 =	vld [tilespmem:s28+$0x3430]  }
0x18f: {  	v13 =	vld [tilespmem:s26+$0x3410]  }
0x190: {  	v14 =	vld [tilespmem:s28+$0x3420]  }
0x191: {  	v15 =	vld [tilespmem:s29+$0x3410]  }
0x192: {  	v16 =	vld.msk [tilespmem:s29+$0x3420], $0xfff  }
0x193: {  	v17 =	vld [tilespmem:s26+$0x3450]  }
0x194: {  	v18 =	vld [tilespmem:s26+$0x3470]  }
0x195: {  	v19 =	vld [tilespmem:s28+$0x3400];
	[tilespmem:s28+$0xF450] =	vst v4  }
0x196: {  	[tilespmem:s28+$0xF440] =	vst v8  }
0x197: {  	[tilespmem:s28+$0xF420] =	vst v14  }
0x198: {  	[tilespmem:s28+$0xF430] =	vst v12  }
0x199: {  	v4 =	vld [tilespmem:s28+$0x3470];
	[tilespmem:s28+$0xF410] =	vst v9  }
0x19a: {  	v8 =	vld [tilespmem:s28+$0x3460];
	[tilespmem:s28+$0xF400] =	vst v19  }
0x19b: {  	[tilespmem:s26+$0xF400] =	vst v5  }
0x19c: {  	[tilespmem:s26+$0xF410] =	vst v13  }
0x19d: {  	[tilespmem:s26+$0xF420] =	vst v7  }
0x19e: {  	[tilespmem:s28+$0xF470] =	vst v4  }
0x19f: {  	[tilespmem:s28+$0xF460] =	vst v8  }
0x1a0: {  	[tilespmem:s26+$0xF470] =	vst v18  }
0x1a1: {  	[tilespmem:s26+$0xF450] =	vst v17  }
0x1a2: {  	[tilespmem:s26+$0xF460] =	vst v3  }
0x1a3: {  	[tilespmem:s26+$0xF430] =	vst v10  }
0x1a4: {  	[tilespmem:s26+$0xF440] =	vst v6  }
0x1a5: {  	[tilespmem:s29+$0xF400] =	vst v11  }
0x1a6: {  	s6 =	sor.u32 $0x80, s6;
	[tilespmem:s29+$0xF410] =	vst v15  }
0x1a7: {  	s28 =	sor.u32 s6, s0;
	[tilespmem:s29+$0xF420] =	vst.msk $0xfff, v16  }
0x1a8: {  	s31 =	sor.u32 s6, s30;
	v3 =	vld.msk [tilespmem:s28+$0x3420], $0xfff  }
0x1a9: {  	v10 =	vld [tilespmem:s31+$0x3470]  }
0x1aa: {  	s29 =	sor.u32 s6, s9;
	v5 =	vld [tilespmem:s28+$0x3410]  }
0x1ab: {  	v6 =	vld [tilespmem:s29+$0x3470]  }
0x1ac: {  	v4 =	vld [tilespmem:s28+$0x3400]  }
0x1ad: {  	v11 =	vld [tilespmem:s29+$0x3410]  }
0x1ae: {  	v7 =	vld [tilespmem:s29+$0x3450]  }
0x1af: {  	v12 =	vld [tilespmem:s31+$0x3450]  }
0x1b0: {  	v13 =	vld [tilespmem:s31+$0x3400]  }
0x1b1: {  	v14 =	vld [tilespmem:s31+$0x3430]  }
0x1b2: {  	v8 =	vld [tilespmem:s29+$0x3440]  }
0x1b3: {  	v15 =	vld [tilespmem:s29+$0x3460]  }
0x1b4: {  	v9 =	vld [tilespmem:s29+$0x3430]  }
0x1b5: {  	v16 =	vld [tilespmem:s29+$0x3400]  }
0x1b6: {  	v17 =	vld [tilespmem:s31+$0x3410]  }
0x1b7: {  	v18 =	vld [tilespmem:s29+$0x3420]  }
0x1b8: {  	v19 =	vld [tilespmem:s31+$0x3460];
	[tilespmem:s31+$0xF470] =	vst v10  }
0x1b9: {  	v63 =	vld [tilespmem:s31+$0x3420];
	[tilespmem:s31+$0xF450] =	vst v12  }
0x1ba: {  	[tilespmem:s31+$0xF430] =	vst v14  }
0x1bb: {  	v10 =	vld [tilespmem:s31+$0x3440];
	[tilespmem:s31+$0xF410] =	vst v17  }
0x1bc: {  	[tilespmem:s31+$0xF400] =	vst v13  }
0x1bd: {  	[tilespmem:s31+$0xF460] =	vst v19  }
0x1be: {  	[tilespmem:s31+$0xF420] =	vst v63  }
0x1bf: {  	[tilespmem:s29+$0xF400] =	vst v16  }
0x1c0: {  	[tilespmem:s31+$0xF440] =	vst v10  }
0x1c1: {  	[tilespmem:s29+$0xF460] =	vst v15  }
0x1c2: {  	[tilespmem:s29+$0xF410] =	vst v11  }
0x1c3: {  	s26 =	simm.s32 $0x0;
	[tilespmem:s29+$0xF420] =	vst v18  }
.LBB2_7:
0x1c4: {  	s26 =	sadd.s32 $0x2, s26;
	[tilespmem:s29+$0xF430] =	vst v9;
	s25 =	sadd.s32 $0x100, s25  }
0x1c5: {  	s0 =	sshrl.u32 s26, $0x3;
	p0 =	slt.u32 s26, $0x3E;
	[tilespmem:s29+$0xF440] =	vst v8  }
0x1c6: {  	s0 =	smul.u32 $0xC00, s0;
	[tilespmem:s29+$0xF450] =	vst v7  }
0x1c7: {  	[tilespmem:s29+$0xF470] =	vst v6  }
0x1c8: {  	s31 =	sand.u32 $0x300, s25;
	s30 =	sadd.s32 $0x6000, s0;
	s29 =	sadd.s32 $0x6400, s0;
	[tilespmem:s28+$0xF410] =	vst v5  }
0x1c9: {  	s0 =	sadd.s32 $0x6800, s0;
	s9 =	sor.u32 s31, s30;
	s1 =	sor.u32 s31, s29;
	[tilespmem:s28+$0xF420] =	vst.msk $0xfff, v3  }
0x1ca: {  	s6 =	sor.u32 s31, s0;
	s31 =	sor.u32 $0x80, s31;
	[tilespmem:s28+$0xF400] =	vst v4  }
0x1cb: {  	v3 =	vld [tilespmem:s1+$0x3460]  }
0x1cc: {  	v4 =	vld [tilespmem:s9+$0x3450]  }
0x1cd: {  	v5 =	vld [tilespmem:s1+$0x3400]  }
0x1ce: {  	v6 =	vld [tilespmem:s1+$0x3440]  }
0x1cf: {  	v7 =	vld [tilespmem:s1+$0x3420]  }
0x1d0: {  	v8 =	vld [tilespmem:s9+$0x3440]  }
0x1d1: {  	v9 =	vld [tilespmem:s9+$0x3410]  }
0x1d2: {  	v10 =	vld [tilespmem:s1+$0x3430]  }
0x1d3: {  	v11 =	vld [tilespmem:s6+$0x3400]  }
0x1d4: {  	v12 =	vld [tilespmem:s9+$0x3430]  }
0x1d5: {  	v13 =	vld [tilespmem:s1+$0x3410]  }
0x1d6: {  	v14 =	vld [tilespmem:s9+$0x3420]  }
0x1d7: {  	v15 =	vld [tilespmem:s6+$0x3410]  }
0x1d8: {  	v16 =	vld.msk [tilespmem:s6+$0x3420], $0xfff  }
0x1d9: {  	v17 =	vld [tilespmem:s1+$0x3450]  }
0x1da: {  	v18 =	vld [tilespmem:s1+$0x3470]  }
0x1db: {  	v19 =	vld [tilespmem:s9+$0x3400];
	[tilespmem:s9+$0xF450] =	vst v4  }
0x1dc: {  	[tilespmem:s9+$0xF440] =	vst v8  }
0x1dd: {  	[tilespmem:s9+$0xF420] =	vst v14  }
0x1de: {  	[tilespmem:s9+$0xF430] =	vst v12  }
0x1df: {  	v4 =	vld [tilespmem:s9+$0x3470];
	[tilespmem:s9+$0xF410] =	vst v9  }
0x1e0: {  	v8 =	vld [tilespmem:s9+$0x3460];
	[tilespmem:s9+$0xF400] =	vst v19  }
0x1e1: {  	[tilespmem:s1+$0xF400] =	vst v5  }
0x1e2: {  	[tilespmem:s1+$0xF410] =	vst v13  }
0x1e3: {  	[tilespmem:s1+$0xF420] =	vst v7  }
0x1e4: {  	[tilespmem:s9+$0xF470] =	vst v4  }
0x1e5: {  	[tilespmem:s9+$0xF460] =	vst v8  }
0x1e6: {  	[tilespmem:s1+$0xF470] =	vst v18  }
0x1e7: {  	[tilespmem:s1+$0xF450] =	vst v17  }
0x1e8: {  	[tilespmem:s1+$0xF460] =	vst v3  }
0x1e9: {  	[tilespmem:s1+$0xF430] =	vst v10  }
0x1ea: {  	[tilespmem:s6+$0xF400] =	vst v11  }
0x1eb: {  	[tilespmem:s1+$0xF440] =	vst v6  }
0x1ec: {  	[tilespmem:s6+$0xF410] =	vst v15  }
0x1ed: {  	s28 =	sor.u32 s31, s0;
	[tilespmem:s6+$0xF420] =	vst.msk $0xfff, v16  }
0x1ee: {  	s0 =	sor.u32 s31, s30;
	v3 =	vld.msk [tilespmem:s28+$0x3420], $0xfff  }
0x1ef: {  	v10 =	vld [tilespmem:s0+$0x3470]  }
0x1f0: {  	s29 =	sor.u32 s31, s29;
	v5 =	vld [tilespmem:s28+$0x3410]  }
0x1f1: {  	v6 =	vld [tilespmem:s29+$0x3470]  }
0x1f2: {  	v4 =	vld [tilespmem:s28+$0x3400]  }
0x1f3: {  	v11 =	vld [tilespmem:s29+$0x3410]  }
0x1f4: {  	v7 =	vld [tilespmem:s29+$0x3450]  }
0x1f5: {  	v12 =	vld [tilespmem:s0+$0x3450]  }
0x1f6: {  	v13 =	vld [tilespmem:s0+$0x3400]  }
0x1f7: {  	v14 =	vld [tilespmem:s0+$0x3430]  }
0x1f8: {  	v8 =	vld [tilespmem:s29+$0x3440]  }
0x1f9: {  	v15 =	vld [tilespmem:s29+$0x3460]  }
0x1fa: {  	v9 =	vld [tilespmem:s29+$0x3430]  }
0x1fb: {  	v16 =	vld [tilespmem:s29+$0x3400]  }
0x1fc: {  	v17 =	vld [tilespmem:s0+$0x3410]  }
0x1fd: {  	v18 =	vld [tilespmem:s29+$0x3420]  }
0x1fe: {  	v19 =	vld [tilespmem:s0+$0x3460];
	[tilespmem:s0+$0xF470] =	vst v10  }
0x1ff: {  	v10 =	vld [tilespmem:s0+$0x3440];
	[tilespmem:s0+$0xF450] =	vst v12  }
0x200: {  	v12 =	vld [tilespmem:s0+$0x3420];
	[tilespmem:s0+$0xF430] =	vst v14  }
0x201: {  	[tilespmem:s0+$0xF410] =	vst v17  }
0x202: {  	[tilespmem:s0+$0xF400] =	vst v13  }
0x203: {  	[tilespmem:s0+$0xF460] =	vst v19  }
0x204: {  	[tilespmem:s0+$0xF440] =	vst v10  }
.Ltmp6:
0x205: {  	[tilespmem:s29+$0xF460] =	vst v15;
	(pc) =	sbr.rel @p0 .LBB2_7-.Ltmp6, $4  }
0x206: {  	[tilespmem:s0+$0xF420] =	vst v12  }
0x207: {  	[tilespmem:s29+$0xF400] =	vst v16  }
0x208: {  	[tilespmem:s29+$0xF410] =	vst v11  }
0x209: {  	[tilespmem:s29+$0xF420] =	vst v18  }
0x20a: {  	[tilespmem:s29+$0xF430] =	vst v9  }
0x20b: {  	[tilespmem:s29+$0xF440] =	vst v8  }
.Ltmp7:
0x20c: {  	[tilespmem:s29+$0xF450] =	vst v7;
	(pc) =	sbr.rel @p1 .LBB2_10-.Ltmp7, $4  }
0x20d: {  	[tilespmem:s29+$0xF470] =	vst v6  }
0x20e: {  	[tilespmem:s28+$0xF410] =	vst v5  }
0x20f: {  	[tilespmem:s28+$0xF420] =	vst.msk $0xfff, v3  }
0x210: {  	[tilespmem:s28+$0xF400] =	vst v4  }
0x211: {  	s0 =	sshrl.u32 s23, $0x2  }
0x212: {  	v3 =	vld [tilespmem:s0+$0x180];
	_ =	sdelay $0x4  }
0x213: {  	v4 =	vshrl.u32 v3, $0x3  }
0x214: {  	v4 =	vmul.u32 $0x18, v4  }
0x215: {  	v3 =	vand.u32 $0x7, v3  }
0x216: {  	v3 =	vor.u32 v3, v4  }
0x217: {  	v4 =	vperm.xlane v3, v0;
	_ =	sdelay $0x1  }
0x218: {  	v4 =	vadd.s32 v1, v4;
	_ =	sdelay $0x1  }
0x219: {  	v3 =	vperm.xlane v3, v2;
	_ =	sdelay $0x1  }
0x21a: {  	s1 =	simm.s32 $0x9400;
	v3 =	vadd.s32 v1, v3  }
0x21b: {  	[tilespmem:s1], [sflag:$0x2] =	stream.indirect_vreg.gather [hbm4b:s3+s2], $0x80, v4, vm0, $0xb8;
	[tilespmem:$0x1B400] =	vst v63  }
0x21c: {  	s23 =	simm.s32 $0x9C00  }
0x21d: {  	[tilespmem:s23], [sflag:$0x2] =	stream.indirect_vreg.gather [hbm4b:s7+s2], $0x80, v4, vm1, $0xb8;
	[tilespmem:$0x1B400] =	vst v63  }
0x21e: {  	s25 =	simm.s32 $0xA000  }
0x21f: {  	[tilespmem:s25], [sflag:$0x2] =	stream.indirect_vreg.gather [hbm4b:s3+s2], $0x80, v3, vm0, $0xb8;
	[tilespmem:$0x1B400] =	vst v63  }
0x220: {  	s26 =	simm.s32 $0xA800  }
0x221: {  	[tilespmem:s26], [sflag:$0x2] =	stream.indirect_vreg.gather [hbm4b:s7+s2], $0x80, v3, vm1, $0xb8;
	[tilespmem:$0x1B400] =	vst v63  }
0x222: {  	v3 =	vld [tilespmem:s0+$0x190];
	_ =	sdelay $0x4  }
0x223: {  	v61 =	vshrl.u32 v3, $0x3  }
0x224: {  	v4 =	vmul.u32 $0x18, v61  }
0x225: {  	v3 =	vand.u32 $0x7, v3  }
0x226: {  	v3 =	vor.u32 v3, v4  }
0x227: {  	v4 =	vperm.xlane v3, v0;
	_ =	sdelay $0x1  }
0x228: {  	v4 =	vadd.s32 v1, v4;
	_ =	sdelay $0x1  }
0x229: {  	v3 =	vperm.xlane v3, v2;
	_ =	sdelay $0x1  }
0x22a: {  	s28 =	simm.s32 $0xAC00;
	v3 =	vadd.s32 v1, v3  }
0x22b: {  	[tilespmem:s28], [sflag:$0x2] =	stream.indirect_vreg.gather [hbm4b:s3+s2], $0x80, v4, vm0, $0xb8;
	[tilespmem:$0x1B400] =	vst v63  }
0x22c: {  	s29 =	simm.s32 $0xB400  }
0x22d: {  	[tilespmem:s29], [sflag:$0x2] =	stream.indirect_vreg.gather [hbm4b:s7+s2], $0x80, v4, vm1, $0xb8;
	[tilespmem:$0x1B400] =	vst v63  }
0x22e: {  	s30 =	simm.s32 $0xB800  }
0x22f: {  	[tilespmem:s30], [sflag:$0x2] =	stream.indirect_vreg.gather [hbm4b:s3+s2], $0x80, v3, vm0, $0xb8;
	[tilespmem:$0x1B400] =	vst v63  }
0x230: {  	s31 =	simm.s32 $0xC000  }
0x231: {  	[tilespmem:s31], [sflag:$0x2] =	stream.indirect_vreg.gather [hbm4b:s7+s2], $0x80, v3, vm1, $0xb8;
	[tilespmem:$0x1B400] =	vst v63  }
0x232: {  	v3 =	vld [tilespmem:s0+$0x1A0];
	_ =	sdelay $0x4  }
0x233: {  	v62 =	vshrl.u32 v3, $0x3  }
0x234: {  	v4 =	vmul.u32 $0x18, v62  }
0x235: {  	v3 =	vand.u32 $0x7, v3  }
0x236: {  	v3 =	vor.u32 v3, v4  }
0x237: {  	v4 =	vperm.xlane v3, v0;
	_ =	sdelay $0x1  }
0x238: {  	v4 =	vadd.s32 v1, v4;
	_ =	sdelay $0x1  }
0x239: {  	v3 =	vperm.xlane v3, v2;
	_ =	sdelay $0x1  }
0x23a: {  	v3 =	vadd.s32 v1, v3  }
0x23b: {  	[tilespmem:s10], [sflag:$0x2] =	stream.indirect_vreg.gather [hbm4b:s3+s2], $0x80, v4, vm0, $0xb8;
	[tilespmem:$0x1B400] =	vst v63  }
0x23c: {  	_ = 	snop  }
0x23d: {  	[tilespmem:s11], [sflag:$0x2] =	stream.indirect_vreg.gather [hbm4b:s7+s2], $0x80, v4, vm1, $0xb8;
	[tilespmem:$0x1B400] =	vst v63  }
0x23e: {  	_ = 	snop  }
0x23f: {  	[tilespmem:s12], [sflag:$0x2] =	stream.indirect_vreg.gather [hbm4b:s3+s2], $0x80, v3, vm0, $0xb8;
	[tilespmem:$0x1B400] =	vst v63  }
0x240: {  	_ = 	snop  }
0x241: {  	[tilespmem:s13], [sflag:$0x2] =	stream.indirect_vreg.gather [hbm4b:s7+s2], $0x80, v3, vm1, $0xb8;
	[tilespmem:$0x1B400] =	vst v63  }
0x242: {  	v3 =	vld [tilespmem:s0+$0x1B0];
	_ =	sdelay $0x4  }
0x243: {  	v63 =	vshrl.u32 v3, $0x3  }
0x244: {  	v4 =	vmul.u32 $0x18, v63  }
0x245: {  	v3 =	vand.u32 $0x7, v3  }
0x246: {  	v3 =	vor.u32 v3, v4  }
0x247: {  	v4 =	vperm.xlane v3, v0;
	_ =	sdelay $0x1  }
0x248: {  	v4 =	vadd.s32 v1, v4;
	_ =	sdelay $0x2  }
0x249: {  	v3 =	vperm.xlane v3, v2;
	_ =	sdelay $0x1  }
0x24a: {  	v3 =	vadd.s32 v1, v3;
	[tilespmem:s14], [sflag:$0x2] =	stream.indirect_vreg.gather [hbm4b:s3+s2], $0x80, v4, vm0, $0xb8;
	[tilespmem:$0x1B400] =	vst v63  }
0x24b: {  	_ = 	snop  }
0x24c: {  	[tilespmem:s15], [sflag:$0x2] =	stream.indirect_vreg.gather [hbm4b:s7+s2], $0x80, v4, vm1, $0xb8;
	[tilespmem:$0x1B400] =	vst v63  }
.Ltmp8:
0x24d: {  	_ = 	snop;
	(pc) =	sbr.rel .LBB2_10-.Ltmp8, $4  }
0x24e: {  	_ = 	snop  }
0x24f: {  	[tilespmem:s16], [sflag:$0x2] =	stream.indirect_vreg.gather [hbm4b:s3+s2], $0x80, v3, vm0, $0xb8;
	[tilespmem:$0x1B400] =	vst v63  }
0x250: {  	_ = 	snop  }
0x251: {  	[tilespmem:s17], [sflag:$0x2] =	stream.indirect_vreg.gather [hbm4b:s7+s2], $0x80, v3, vm1, $0xb8;
	[tilespmem:$0x1B400] =	vst v63  }
.LBB2_12:
0x252: {  	_ =	sfence.sel $0x180000  }
0x253: {  	[bflag:$0x0] =	sbarrier.arrive $0xFFFF  }
0x254: {  	_ =	strace $0x90000047  }
0x255: {  	s0 =	stileid.u32;
	[bflag:$0x2] =	sbarrier.arrive $0xFFFF  }
0x256: {  	p0 =	sne.s32 s0, $0x0;
	s0 =	rddreg [dreg:$0x1]  }
0x257: {  	s0 =	sadd.s32 @!p0 $0x100000, s0  }
0x258: {  	[sflag:s0] =	ssyncadd.tile.s32 @!p0 $0x1;
	_ =	shalt  }
.Lfunc_end2:
_tile_overlayer_lowered:
.L_overlay_start_2:
0x259: {  	(tag) =	ssettag $0x2  }
0x25a: {  	s0 =	rddreg [dreg:$0x0];
	s2 =	stileid.u32  }
0x25b: {  	s1 =	rddreg [dreg:$0x1];
	p0 =	sne.s32 s2, $0x0  }
0x25c: {  	s3 =	rddreg [dreg:$0x2];
	[bflag:$0x3] =	sbarrier.arrive $0xFFFF;
	s2 =	simm.s32 @!p0 $0x1C05  }
0x25d: {  	[timem:s3], [sflag:s2] =	dma.local @!p0 [hbm:s0], s1  }
0x25e: {  	s0 =	simm.s32 @!p0 $0x5  }
0x25f: {  	_ =	swait.ge @!p0 [sflag:s0], s1  }
0x260: {  	s1 =	ssub.s32 @!p0 $0x0, s1;
	[sflag:s0] =	ssyncset.done @!p0 $0x0  }
0x261: {  	[sflag:s0] =	ssyncadd.s32 @!p0 s1  }
0x262: {  	[bflag:$0x3] =	sbarrier.arrive $0xFFFF  }
0x263: {  	_ =	shalt  }

// kernel: sparse-core-data-format-call.cloned.1.call-start
scs
called_computation_lowered:
.L_overlay_start_0:
0x0: {  	s2 =	sld [smem:$0x3FD9]  }
0x1: {  	s3 =	sld [smem:$0x3FFE];
	_ =	sdelay $0x1  }
0x2: {  	s1 =	srdreg.scid  }
0x3: {  	s0 =	sand.u32 $0x1, s1  }
0x4: {  	s18 =	sshll.u32 s0, $0xA;
	s2 =	sadd.s32 s3, s2  }
0x5: {  	s2 =	sadd.s32 s2, s18  }
0x6: {  	[smem:$0x3FC4] =	sst s2  }
0x7: {  	_ = 	snop  }
0x8: {  	s2 =	sld [smem:$0x3FD0];
	(tm) =	ssettm $0x1  }
0x9: {  	s19 =	sld [smem:$0x3FFB];
	_ =	sdelay $0x3  }
0xa: {  	_ =	strace s19  }
0xb: {  	s3 =	sld [smem:$0x3FFC];
	_ =	sdelay $0x3  }
0xc: {  	_ =	strace s3  }
0xd: {  	s3 =	sld [smem:$0x3FFD];
	_ =	sdelay $0x3  }
0xe: {  	_ =	strace s3  }
0xf: {  	_ =	strace $0x8FFFFFFF  }
0x10: {  	s20 =	sld [smem:$0x3FDB];
	_ =	sdelay $0x1  }
0x11: {  	s4 =	simm.s32 $_scs_section_size  }
0x12: {  	s5 =	simm.s32 $_size__tile_overlayer_lowered;
	s6 =	simm.s32 $_tile_overlayer_lowered  }
0x13: {  	s23 =	simm.s32 $0x1BFF;
	s22 =	sshll.u32 s6, $0x1;
	s3 =	sadd.s32 s4, s20  }
0x14: {  	s7 =	simm.s32 $0x0;
	s21 =	sshll.u32 s5, $0x1;
	s5 =	sadd.s32 s22, s3  }
0x15: {  	[timem:s7], [sflag:s23] =	dma.local [hbm:s5], s21  }
0x16: {  	_ =	swait.ge [sflag:s23], s21  }
0x17: {  	s4 =	ssub.s32 $0x0, s21;
	[sflag:s23] =	ssyncset.done $0x0  }
0x18: {  	[sflag:s23] =	ssyncadd.s32 s4;
	_ =	sdelay $0x1  }
0x19: {  	s24 =	simm.s32 $0x1B8B  }
0x1a: {  	_ =	swait.ge [sflag:s24], $0x1  }
0x1b: {  	[sflag:s24] =	ssyncset.done $0x0  }
0x1c: {  	s26 =	simm.s32 $0x1B8E;
	s25 =	sld [smem:$0x3FFE];
	[sflag:s24] =	ssyncadd.s32 $0xFFFFFFFF  }
0x1d: {  	s27 =	simm.s32 $execute0_lowered;
	[smem:$0x3FD2] =	sst s26  }
0x1e: {  	s5 =	sshll.u32 s27, $0x1;
	_ =	strace $0x80000049;
	[dreg:$0x1] =	wrdreg $0xFFFFFFFF  }
0x1f: {  	s28 =	simm.s32 $_size_execute0_lowered;
	s3 =	sadd.s32 s3, s5;
	[dreg:$0x0] =	wrdreg $0x0  }
0x20: {  	s5 =	sshll.u32 s28, $0x1;
	[dreg:$0x2] =	wrdreg s3  }
0x21: {  	[dreg:$0x3] =	wrdreg s5  }
0x22: {  	[dreg:$0x4] =	wrdreg $0xC0  }
0x23: {  	_ =	task [dreg:s7], $0x5FFFF  }
0x24: {  	[dreg:$0x1] =	wrdreg $0xFFFFFFFF  }
0x25: {  	[dreg:$0x0] =	wrdreg $0x60  }
0x26: {  	[dreg:$0x2] =	wrdreg s25  }
0x27: {  	[dreg:$0x3] =	wrdreg s2  }
0x28: {  	[dreg:$0x4] =	wrdreg $0x9  }
0x29: {  	_ =	task.clear_ibuf [dreg:s7], $0x5FFFF;
	_ =	strace $0x90000049  }
0x2a: {  	s29 =	simm.s32 $0x9;
	_ =	strace $0x8000004B  }
0x2b: {  	_ =	swait.ge [sflag:s29], $0x1  }
0x2c: {  	[sflag:s29] =	ssyncadd.s32 $0xFFFFFFFF  }
0x2d: {  	_ =	strace $0x9000004B  }
0x2e: {  	_ =	sfence  }
0x2f: {  	s30 =	sld [smem:$0x0];
	_ =	sdelay $0x2  }
0x30: {  	s31 =	sshll.u32 s1, $0xD;
	s1 =	sshrl.u32 s1, $0x2  }
0x31: {  	s3 =	sand.u32 $0x4000, s31;
	s1 =	sadd.s32 s1, s30  }
0x32: {  	s0 =	sor.u32 s3, s0;
	s1 =	sshll.u32 s1, $0x11  }
0x33: {  	s0 =	sor.u32 s1, s0  }
0x34: {  	s0 =	sadd.s32 $0x8F2B, s0  }
0x35: {  	[sflag:s0] =	ssyncadd.remote.s32 $0x1  }
0x36: {  	_ =	sfence.sel $0xFFFF  }
0x37: {  	[dreg:$0x0] =	wrdreg $0xFFFFFFFF;
	(pc) =	sbr.abs _section_cstart, $3  }
0x38: {  	[dreg:$0x1] =	wrdreg $0xFFFFFFFF  }
0x39: {  	_ =	task.clear_ibuf [dreg:s7], $0x2FFFF;
	_ =	strace $0x9FFFFFFF  }
0x3a: {  	(tm) =	ssettm $0x7FFFFFFF  }
0x3b: {  	_ =	shalt  }
tec
execute0_lowered:
.L_overlay_start_1:
0x0: {  	(tag) =	ssettag $0x1  }
0x1: {  	s4 =	rddreg [dreg:$0x0]  }
0x2: {  	s0 =	stileid.u32;
	s2 =	rddreg [dreg:$0x1]  }
0x3: {  	s7 =	srdreg.scid;
	s8 =	simm.s32 $0x2;
	s17 =	simm.s32 $0x0  }
0x4: {  	s9 =	simm.s32 $0x32000;
	s19 =	simm.s32 $0x0;
	s18 =	simm.s32 $0x0  }
0x5: {  	s10 =	simm.s32 $0x0;
	s11 =	simm.s32 $0x0;
	s1 =	sshll.u32 s0, $0x7  }
0x6: {  	s12 =	simm.s32 $0x0;
	s13 =	simm.s32 $0x0;
	s3 =	sand.u32 $0x380, s1  }
0x7: {  	s16 =	simm.s32 $0x0;
	s7 =	sshll.u32 s7, $0x4;
	s5 =	ssub.s32 $0x400, s3  }
0x8: {  	s4 =	sadd.s32 $0xF7E00, s4;
	s1 =	rddreg [dreg:$0x2];
	s6 =	sand.u32 $0x380, s5  }
0x9: {  	s7 =	sand.u32 $0x10, s7;
	p0 =	sne.s32 s6, $0x0;
	s6 =	simm.s32 $0x1  }
.Ltmp0:
0xa: {  	s5 =	sshrl.u32 s5, $0xA;
	s6 =	simm.s32 @!p0 $0x0;
	(pc) =	sbr.rel .LBB1_1-.Ltmp0, $4  }
0xb: {  	_ =	strace $0x8000004A;
	s7 =	sor.u32 s0, s7;
	s6 =	sadd.s32 s6, s5  }
0xc: {  	s7 =	sshrl.u32 s7, $0x3;
	s5 =	simm.s32 $0x1;
	s6 =	smul.u32 $0x96, s6  }
0xd: {  	s15 =	smov.u32 s3;
	s14 =	smov.u32 s7;
	[sflag:s5] =	ssyncpa.u1 $0x0  }
0xe: {  	p0 =	por $0x0, $0x0;
	[sflag:s8] =	ssyncpa.u1 $0x0;
	s8 =	sor.u32 $0x1, s6  }
.LBB1_4:
0xf: {  	s25 =	sshll.u32 s11, $0xA;
	s26 =	sshll.u32 s12, $0x3;
	s24 =	sshra.s32 s24, $0x2  }
0x10: {  	p1 =	sgt.s32 s10, $0xAC;
	s27 =	sshra.s32 s11, $0x1F;
	s28 =	sshra.s32 s10, $0x1F  }
0x11: {  	s29 =	sshra.s32 s12, $0x1F;
	s25 =	sand.u32 $0xFFFFE000, s25;
	s26 =	sand.u32 $0xFFFFFC00, s26  }
0x12: {  	s23 =	sadd.s32 s24, s23;
	s27 =	sand.u32 s27, s11;
	s25 =	sadd.s32 s26, s25  }
0x13: {  	s28 =	sand.u32 s28, s10;
	s24 =	sshrl.u32 s25, $0xA;
	s25 =	smov.u32 s10  }
0x14: {  	s26 =	smov.u32 s11;
	s25 =	simm.s32 @!p1 $0xAC;
	p1 =	sgt.s32 s11, $0xC7  }
0x15: {  	[tilespmem:s22+$0x2040 ss:$0x81] =	vst.msk $0xffff, v4;
	s29 =	sand.u32 s29, s12;
	s30 =	smulhi.u32 $0x147AE15, s24;
	s26 =	simm.s32 @!p1 $0xC7  }
0x16: {  	v5 =	vld [tilespmem:s21+$0xFFFFFFD0];
	[tilespmem:s22+$0x2850 ss:$0x81] =	vst.msk $0xffff, v3;
	p1 =	sgt.s32 s12, $0x380;
	s25 =	ssub.s32 s25, s28;
	s26 =	ssub.s32 s26, s27  }
0x17: {  	v58 =	vld [tilespmem:s21+$0xFFFFFFE0];
	[tilespmem:s22+$0x3060 ss:$0x81] =	vst.msk $0xffff, v2;
	s27 =	smov.u32 s12;
	s28 =	sadd.s32 $0xFFFFFF54, s25;
	s25 =	ssub.s32 $0x12C, s25  }
0x18: {  	v59 =	vld [tilespmem:s21+$0xFFFFFFF0];
	[tilespmem:s22+$0x0 ss:$0x81] =	vst.msk $0xffff, v1;
	s27 =	simm.s32 @!p1 $0x380;
	s31 =	sadd.s32 $0xFFFFFF39, s26;
	s22 =	ssub.s32 $0xC8, s26  }
0x19: {  	v60 =	vld [tilespmem:s21+$0x0];
	s27 =	ssub.s32 s27, s29;
	p1 =	sgt.s32 s31, $0x0;
	s29 =	smul.u32 $0xC8, s30  }
0x1a: {  	v61 =	vld [tilespmem:s21+$0x10];
	[tilespmem:s23+$0x3870 ss:$0x81] =	vst.msk $0xffff, v0;
	s30 =	sshll.u32 s11, $0x7;
	s31 =	sadd.s32 $0xFFFFFC80, s27;
	s26 =	ssub.s32 $0x400, s27  }
0x1b: {  	v62 =	vld [tilespmem:s21+$0x20];
	[tilespmem:s23+$0x810 ss:$0x81] =	vst.msk $0xffff, v5;
	s22 =	simm.s32 @p1 $0x0;
	p1 =	sgt.s32 s28, $0x7F;
	p2 =	sgt.s32 s31, $0x7F  }
0x1c: {  	v63 =	vld [tilespmem:s21+$0xFFFFFFC0];
	[tilespmem:s23+$0x1020 ss:$0x81] =	vst.msk $0xffff, v58;
	s27 =	sand.u32 $0x78, s12;
	s31 =	smul.u32 $0x6400, s10;
	s26 =	simm.s32 @p2 $0x0  }
0x1d: {  	[tilespmem:s23+$0x1830 ss:$0x81] =	vst.msk $0xffff, v59;
	s21 =	sand.u32 $0x380, s30;
	s25 =	simm.s32 @p1 $0x0;
	s22 =	smul.u32 s26, s22  }
0x1e: {  	[tilespmem:s23+$0x2040 ss:$0x81] =	vst.msk $0xffff, v60;
	s21 =	sor.u32 s27, s21;
	s24 =	ssub.s32 s24, s29;
	s29 =	sand.u32 $0x7, s12  }
0x1f: {  	[tilespmem:s23+$0x2850 ss:$0x81] =	vst.msk $0xffff, v61;
	s21 =	sshrl.u32 s21, $0x3;
	s28 =	sadd.s32 s2, s31;
	s22 =	smul.u32 s25, s22  }
0x20: {  	[tilespmem:s23+$0x3060 ss:$0x81] =	vst.msk $0xffff, v62;
	s24 =	sshll.u32 s24, $0x7;
	s30 =	sshll.u32 s29, $0x12;
	s21 =	sadd.s32 s21, s28  }
0x21: {  	[tilespmem:s23+$0x0 ss:$0x81] =	vst.msk $0xffff, v63;
	s31 =	sor.u32 $0x80, s30;
	s21 =	sadd.s32 s24, s21;
	s22 =	sand.u32 $0x3FFFFFFF, s22  }
0x22: {  	[hbm4b:s21+s31] =	stream.strided.scatter [tilespmem:s20], [sflag:$0x2], s22, s9, s31, $0x20;
	[tilespmem:$0x10100] =	vst v63  }
.LBB1_5:
0x23: {  	p1 =	slt.u32 s16, $0x2;
	s21 =	smov.u32 s19  }
0x24: {  	p2 =	sgt.s32 @!p1 s17, $0xAC;
	s20 =	sshra.s32 @!p1 s17, $0x1F;
	p3 =	sgt.s32 @!p1 s19, $0xC7  }
0x25: {  	s22 =	sshra.s32 @!p1 s19, $0x1F;
	p2 =	por !p2, p1;
	s20 =	sand.u32 @!p1 s20, s17  }
0x26: {  	p3 =	por !p3, p1;
	s19 =	sand.u32 @!p1 s22, s19;
	s22 =	sshra.s32 @!p1 s18, $0x1F  }
0x27: {  	s21 =	simm.s32 @p3 $0xC7;
	p3 =	sgt.s32 @!p1 s18, $0x380;
	s17 =	simm.s32 @p2 $0xAC  }
0x28: {  	s19 =	ssub.s32 @!p1 s21, s19;
	p3 =	por !p3, p1;
	s21 =	smov.u32 s18  }
0x29: {  	s18 =	sand.u32 @!p1 s22, s18;
	s17 =	ssub.s32 @!p1 s17, s20;
	s21 =	simm.s32 @p3 $0x380  }
0x2a: {  	s20 =	sadd.s32 @!p1 $0xFFFFFF39, s19;
	s19 =	ssub.s32 @!p1 $0xC8, s19;
	s18 =	ssub.s32 @!p1 s21, s18  }
0x2b: {  	s21 =	sadd.s32 @!p1 $0xFFFFFF54, s17;
	p2 =	sgt.s32 @!p1 s20, $0x0;
	s20 =	sadd.s32 @!p1 $0xFFFFFC80, s18  }
0x2c: {  	s17 =	ssub.s32 @!p1 $0x12C, s17;
	p2 =	por !p2, p1;
	p3 =	sgt.s32 @!p1 s20, $0x7F  }
0x2d: {  	s18 =	ssub.s32 @!p1 $0x400, s18;
	s19 =	simm.s32 @!p2 $0x0;
	p2 =	por !p3, p1  }
0x2e: {  	s20 =	sadd.s32 $0x80, s13;
	p3 =	sgt.s32 @!p1 s21, $0x7F;
	s18 =	simm.s32 @!p2 $0x0  }
0x2f: {  	s21 =	smov.u32 s14;
	p2 =	por !p3, p1;
	s18 =	smul.u32 @!p1 s18, s19  }
0x30: {  	s17 =	simm.s32 @!p2 $0x0;
	p2 =	sgt.s32 s20, $0x12B;
	s19 =	sadd.s32 $0x4, s14  }
0x31: {  	s22 =	smov.u32 s15;
	s21 =	smov.u32 @p2 s19  }
0x32: {  	s17 =	smul.u32 @!p1 s17, s18;
	p3 =	sgt.s32 s21, $0xC7;
	s18 =	sadd.s32 $0x400, s15  }
0x33: {  	p0 =	por !p0, !p0;
	s23 =	simm.s32 @!p1 $0x2;
	s22 =	smov.u32 @p3 s18  }
0x34: {  	s20 =	simm.s32 @p2 $0x0;
	s19 =	smov.u32 s11;
	p2 =	sgt.s32 s22, $0x3FF  }
0x35: {  	s11 =	smov.u32 s14;
	s22 =	smov.u32 @p2 s3;
	p2 =	sne.s32 s16, s8  }
.Ltmp1:
0x36: {  	s21 =	smov.u32 @p3 s7;
	s18 =	smov.u32 s12;
	(pc) =	sbr.rel @!p2 .LBB1_6-.Ltmp1, $4  }
0x37: {  	s12 =	smov.u32 s15;
	s17 =	sand.u32 @!p1 $0x3FFFFFFF, s17;
	s14 =	smov.u32 s21  }
0x38: {  	_ =	swait.ge @!p1 [sflag:s23], s17;
	s24 =	ssub.s32 @!p1 $0x0, s17;
	s17 =	smov.u32 s10  }
0x39: {  	s16 =	sadd.s32 $0x1, s16;
	s10 =	smov.u32 s13;
	[sflag:s23] =	ssyncset.done @!p1 $0x0  }
0x3a: {  	s13 =	smov.u32 s20;
	s15 =	smov.u32 s22;
	[sflag:s23] =	ssyncadd.s32 @!p1 s24  }
.LBB1_1:
0x3b: {  	p1 =	sge.u32 s16, s6  }
0x3c: {  	s20 =	sshrl.u32 @!p1 s14, $0x3  }
0x3d: {  	s21 =	sshll.u32 @!p1 s13, $0x3;
	s20 =	smul.u32 @!p1 $0xC00, s20  }
0x3e: {  	s22 =	sshll.u32 @!p1 s14, $0x7;
	s21 =	sand.u32 @!p1 $0xFFFFFC00, s21  }
0x3f: {  	s20 =	sadd.s32 @!p1 s20, s21;
	s21 =	sand.u32 @!p1 $0x380, s22  }
0x40: {  	s20 =	sor.u32 @!p1 s21, s20  }
0x41: {  	s21 =	sand.u32 @!p1 $0x7F, s13;
	s22 =	smulhi.u32 @!p1 $0xAAAAAAAB, s20  }
0x42: {  	s20 =	sor.u32 @!p1 s21, s20  }
0x43: {  	s21 =	smulhi.u32 @!p1 $0xAAAAAAAB, s20;
	s22 =	sshrl.u32 @!p1 s22, $0x8  }
0x44: {  	s23 =	smulhi.u32 @!p1 $0x147AE15, s22;
	_ =	sdelay $0x1  }
0x45: {  	s21 =	sshrl.u32 @!p1 s21, $0x8;
	s23 =	smul.u32 @!p1 $0xC8, s23  }
0x46: {  	s31 =	sadd.s32 $0xFFFFFFFF, s16;
	s21 =	smul.u32 @!p1 $0x180, s21  }
0x47: {  	s24 =	sxor.u32 @!p1 $0xFFFFFFFF, s16;
	s22 =	ssub.s32 @!p1 s22, s23;
	s23 =	smul.u32 @!p1 $0x2580, s15  }
0x48: {  	s24 =	sshll.u32 @!p1 s24, $0xE;
	s20 =	ssub.s32 @!p1 s20, s21;
	s21 =	smul.u32 @!p1 $0x30, s22  }
0x49: {  	s22 =	sand.u32 @!p1 $0x4000, s24;
	s24 =	sand.u32 @!p1 $0x7, s20;
	s23 =	sadd.s32 @!p1 s4, s23  }
0x4a: {  	s20 =	sshrl.u32 @!p1 s20, $0x3;
	s21 =	sadd.s32 @!p1 s21, s23;
	s23 =	sshll.u32 @!p1 s24, $0x12  }
0x4b: {  	s20 =	sadd.s32 @!p1 s20, s21;
	s21 =	sor.u32 @!p1 $0x80, s23;
	s23 =	simm.s32 @!p1 $0x12C00  }
0x4c: {  	[tilespmem:s22], [sflag:$0x1] =	stream.strided.gather @!p1 [hbm4b:s20+s21], $0x4000, s23, s21, $0x38;
	[tilespmem:$0x10100] =	vst v63  }
0x4d: {  	p1 =	sge.u32 s31, s6  }
.Ltmp2:
0x4e: {  	_ = 	snop;
	(pc) =	sbr.rel @p1 .LBB1_5-.Ltmp2, $1  }
0x4f: {  	_ =	sdelay $0x3  }
0x50: {  	s20 =	simm.s32 $0x1  }
0x51: {  	_ =	swait.ge [sflag:s5], $0x4000;
	s20 =	simm.s32 @!p0 $0x0  }
0x52: {  	[sflag:s5] =	ssyncset.done $0x0;
	s21 =	sshll.u32 s20, $0xE  }
0x53: {  	[sflag:s5] =	ssyncadd.s32 $0xFFFFC000;
	s21 =	sor.u32 $0x40, s21  }
0x54: {  	s20 =	smul.u32 $0x10200, s20;
	v0 =	vld [tilespmem:s21+$0x30]  }
0x55: {  	v1 =	vld [tilespmem:s21+$0xFFFFFFD0]  }
0x56: {  	s20 =	sshrl.u32 s20, $0x2;
	v5 =	vld [tilespmem:s21+$0xFFFFFFE0]  }
0x57: {  	v6 =	vld [tilespmem:s21+$0xFFFFFFF0];
	s23 =	sor.u32 $0x8000, s20  }
0x58: {  	s31 =	sand.u32 $0x1, s16;
	v4 =	vld [tilespmem:s21+$0x0];
	s22 =	sadd.s32 $0x0, s23  }
0x59: {  	v3 =	vld [tilespmem:s21+$0x10];
	s20 =	smul.u32 $0x10200, s31;
	[tilespmem:s22+$0x3870 ss:$0x81] =	vst.msk $0xffff, v0  }
0x5a: {  	v2 =	vld [tilespmem:s21+$0x20];
	[tilespmem:s22+$0x810 ss:$0x81] =	vst.msk $0xffff, v1  }
0x5b: {  	s20 =	sshrl.u32 s20, $0x2;
	v1 =	vld [tilespmem:s21+$0xFFFFFFC0];
	[tilespmem:s22+$0x1020 ss:$0x81] =	vst.msk $0xffff, v5;
	s21 =	sadd.s32 $0x80, s21  }
0x5c: {  	s24 =	simm.s32 $0x4;
	s25 =	simm.s32 $0x8;
	s20 =	sor.u32 $0x8000, s20;
	[tilespmem:s22+$0x1830 ss:$0x81] =	vst.msk $0xffff, v6;
	v0 =	vld [tilespmem:s21+$0x30]  }
.LBB1_3:
0x5d: {  	p1 =	sne.s32 s25, $0x1FC;
	v5 =	vld [tilespmem:s21+$0xFFFFFFD0];
	[tilespmem:s22+$0x2040 ss:$0x81] =	vst.msk $0xffff, v4  }
0x5e: {  	v6 =	vld [tilespmem:s21+$0xFFFFFFE0];
	[tilespmem:s22+$0x2850 ss:$0x81] =	vst.msk $0xffff, v3  }
0x5f: {  	s26 =	sshra.s32 s24, $0x2;
	s24 =	smov.u32 s25;
	v7 =	vld [tilespmem:s21+$0xFFFFFFF0];
	[tilespmem:s22+$0x3060 ss:$0x81] =	vst.msk $0xffff, v2  }
.Ltmp3:
0x60: {  	v4 =	vld [tilespmem:s21+$0x0];
	[tilespmem:s22+$0x0 ss:$0x81] =	vst.msk $0xffff, v1;
	s22 =	sadd.s32 s26, s23;
	(pc) =	sbr.rel @p1 .LBB1_3-.Ltmp3, $4  }
0x61: {  	v3 =	vld [tilespmem:s21+$0x10];
	[tilespmem:s22+$0x3870 ss:$0x81] =	vst.msk $0xffff, v0  }
0x62: {  	[tilespmem:s22+$0x810 ss:$0x81] =	vst.msk $0xffff, v5;
	v2 =	vld [tilespmem:s21+$0x20]  }
0x63: {  	v1 =	vld [tilespmem:s21+$0xFFFFFFC0];
	[tilespmem:s22+$0x1020 ss:$0x81] =	vst.msk $0xffff, v6;
	s21 =	sadd.s32 $0x80, s21  }
0x64: {  	s25 =	sadd.s32 $0x4, s25;
	v0 =	vld [tilespmem:s21+$0x30];
	[tilespmem:s22+$0x1830 ss:$0x81] =	vst.msk $0xffff, v7  }
.Ltmp4:
0x65: {  	_ = 	snop;
	(pc) =	sbr.rel .LBB1_4-.Ltmp4, $1  }
0x66: {  	_ =	sdelay $0x3  }
.LBB1_6:
0x67: {  	_ =	sfence.sel $0x180000  }
0x68: {  	s2 =	simm.s32 $0x1;
	[bflag:$0x0] =	sbarrier.arrive $0xFFFF  }
0x69: {  	s31 =	simm.s32 $0x2;
	[sflag:s2] =	ssyncpa.u1 $0x1  }
0x6a: {  	[sflag:s31] =	ssyncpa.u1 $0x1  }
0x6b: {  	p0 =	sne.s32 s0, $0x0;
	_ =	strace $0x9000004A  }
0x6c: {  	s0 =	sadd.s32 @!p0 $0x100000, s1;
	[bflag:$0x2] =	sbarrier.arrive $0xFFFF  }
0x6d: {  	[sflag:s0] =	ssyncadd.tile.s32 @!p0 $0x1;
	_ =	shalt  }
.Lfunc_end1:
_tile_overlayer_lowered:
.L_overlay_start_2:
0x6e: {  	(tag) =	ssettag $0x2  }
0x6f: {  	s0 =	rddreg [dreg:$0x0];
	s2 =	stileid.u32  }
0x70: {  	s1 =	rddreg [dreg:$0x1];
	p0 =	sne.s32 s2, $0x0  }
0x71: {  	s3 =	rddreg [dreg:$0x2];
	[bflag:$0x3] =	sbarrier.arrive $0xFFFF;
	s2 =	simm.s32 @!p0 $0x1C01  }
0x72: {  	[timem:s3], [sflag:s2] =	dma.local @!p0 [hbm:s0], s1  }
0x73: {  	s0 =	simm.s32 @!p0 $0x1  }
0x74: {  	_ =	swait.ge @!p0 [sflag:s0], s1  }
0x75: {  	s1 =	ssub.s32 @!p0 $0x0, s1;
	[sflag:s0] =	ssyncset.done @!p0 $0x0  }
0x76: {  	[sflag:s0] =	ssyncadd.s32 @!p0 s1  }
0x77: {  	[bflag:$0x3] =	sbarrier.arrive $0xFFFF  }
0x78: {  	_ =	shalt  }

</sc_bundles>
